<compile_context>
chip_gen: v7x
topology: tpu7x:2x2x1
jax: 0.10.2.dev20260603
libtpu: 0.0.44.dev20260713+nightly
codegen_flags: <defaults>
</compile_context>

<pallas_src>
import functools

import jax
import jax.numpy as jnp
from jax import lax
from jax.experimental import pallas as pl
from jax.experimental.pallas import tpu as pltpu
from jax.experimental.pallas import tpu_sc as plsc

N = 2048
C = 1024
K = 20
NUM_WORKERS = 32
ROWS_PER_WORKER = N // NUM_WORKERS
CHUNK = 16
NCHUNK = ROWS_PER_WORKER // CHUNK
COLBLK = 128
TC_BLK = 1024


def _sc_top1(logits_hbm, relsT_hbm, maskT_hbm, t_hbm, m_hbm,
             log_v0, log_v1, rels_v, mask_v, tv, mv, sem0, sem1, sem2, sem3):
    wid = lax.axis_index("s") * 2 + lax.axis_index("c")
    tbase = wid * ROWS_PER_WORKER
    c128 = (tbase // COLBLK) * COLBLK
    coff = tbase - c128
    logs = [log_v0, log_v1]
    sems = [sem0, sem1]
    cps = [None, None]
    cps[0] = pltpu.async_copy(
        logits_hbm.at[pl.ds(tbase, CHUNK), :], logs[0], sems[0])
    cp_r = pltpu.async_copy(relsT_hbm.at[:, pl.ds(c128, COLBLK)], rels_v, sem2)
    cp_m = pltpu.async_copy(maskT_hbm.at[:, pl.ds(c128, COLBLK)], mask_v, sem3)
    cp_r.wait()
    cp_m.wait()
    for ci in range(NCHUNK):
        if ci + 1 < NCHUNK:
            nb = (ci + 1) % 2
            cps[nb] = pltpu.async_copy(
                logits_hbm.at[pl.ds(tbase + (ci + 1) * CHUNK, CHUNK), :],
                logs[nb], sems[nb])
        cps[ci % 2].wait()
        log_v = logs[ci % 2]
        rows = lax.iota(jnp.int32, CHUNK)
        best_s = jnp.full((CHUNK,), -1.0, jnp.float32)
        best_g = jnp.zeros((CHUNK,), jnp.float32)
        best_m = jnp.zeros((CHUNK,), jnp.float32)

        def body(k, carry):
            bs, bg, bm = carry
            rk = rels_v[k, pl.ds(coff + ci * CHUNK, CHUNK)]
            mk = mask_v[k, pl.ds(coff + ci * CHUNK, CHUNK)]
            g = plsc.load_gather(log_v, [rows, rk])
            s = mk / (1.0 + jnp.exp(-g))
            upd = s > bs
            return (jnp.where(upd, s, bs), jnp.where(upd, g, bg),
                    jnp.where(upd, mk, bm))
        best_s, best_g, best_m = lax.fori_loop(
            0, K, body, (best_s, best_g, best_m))
        zz = jnp.zeros((CHUNK,), jnp.int32)
        plsc.store_scatter(tv, [ci * CHUNK + rows, zz], best_g)
        plsc.store_scatter(mv, [ci * CHUNK + rows, zz], best_m)
    pltpu.sync_copy(tv, t_hbm.at[pl.ds(tbase, ROWS_PER_WORKER), :])
    pltpu.sync_copy(mv, m_hbm.at[pl.ds(tbase, ROWS_PER_WORKER), :])


_sc_call = functools.partial(
    pl.kernel,
    out_type=(jax.ShapeDtypeStruct((N, 1), jnp.float32),
              jax.ShapeDtypeStruct((N, 1), jnp.float32)),
    mesh=plsc.VectorSubcoreMesh(core_axis_name="c", subcore_axis_name="s"),
    compiler_params=pltpu.CompilerParams(needs_layout_passes=False),
    scratch_types=[
        pltpu.VMEM((CHUNK, C), jnp.float32),
        pltpu.VMEM((CHUNK, C), jnp.float32),
        pltpu.VMEM((K, COLBLK), jnp.int32),
        pltpu.VMEM((K, COLBLK), jnp.float32),
        pltpu.VMEM((ROWS_PER_WORKER, 1), jnp.float32),
        pltpu.VMEM((ROWS_PER_WORKER, 1), jnp.float32),
        pltpu.SemaphoreType.DMA,
        pltpu.SemaphoreType.DMA,
        pltpu.SemaphoreType.DMA,
        pltpu.SemaphoreType.DMA,
    ],
)(_sc_top1)


def _tc_loss_body(logits_ref, htr_ref, t_ref, m_ref, out_ref, acc_ref):
    i = pl.program_id(0)

    @pl.when(i == 0)
    def _init():
        acc_ref[0] = 0.0
        acc_ref[1] = 0.0

    lg = logits_ref[...]
    cmp = (lg >= t_ref[...]).astype(jnp.float32)
    rank = jnp.sum(cmp, axis=1, keepdims=True)
    neg = jnp.sum(cmp * (1.0 - htr_ref[...]), axis=1, keepdims=True)
    neg = jnp.maximum(neg, 0.1)
    mcol = m_ref[...]
    acc_ref[0] += jnp.sum(mcol * neg / rank)
    acc_ref[1] += jnp.sum(mcol)

    @pl.when(i == (N // TC_BLK) - 1)
    def _fin():
        out_ref[0, 0] = acc_ref[0] / acc_ref[1]


_tc_call = pl.pallas_call(
    _tc_loss_body,
    grid=(N // TC_BLK,),
    in_specs=[
        pl.BlockSpec((TC_BLK, C), lambda i: (i, 0)),
        pl.BlockSpec((TC_BLK, C), lambda i: (i, 0)),
        pl.BlockSpec((TC_BLK, 1), lambda i: (i, 0)),
        pl.BlockSpec((TC_BLK, 1), lambda i: (i, 0)),
    ],
    out_specs=pl.BlockSpec(memory_space=pltpu.SMEM),
    out_shape=jax.ShapeDtypeStruct((1, 1), jnp.float32),
    scratch_shapes=[pltpu.SMEM((2,), jnp.float32)],
)


def kernel(logits, Match_htr, match_rels, match_rels_mask):
    t, m = _sc_call(logits, match_rels.astype(jnp.int32).T,
                    match_rels_mask.astype(jnp.float32).T)
    loss = _tc_call(logits, Match_htr, t, m)
    return loss[0, 0]

# --- scband reference (transcript-rebuilt; emitter-appended) ---
"""Pipeline reference for scband-tcl-loss-r-52432960749966 (READ-ONLY COPY).

The authoritative reference and input builder live on the scoring server;
editing this copy changes nothing except your own understanding.
"""

import jax, jax.numpy as jnp
import numpy as np

MAX_NUM_MATCH_RELS = 20
MAX_NUM_LABELS = 1


def setup_inputs(seed: int = 0) -> dict:
    key = jax.random.key(seed)
    k1, k2, k3 = jax.random.split(key, 3)
    N, num_class, K = 2048, 1024, MAX_NUM_MATCH_RELS
    logits = jax.random.normal(k1, (N, num_class), dtype=jnp.float32)
    Match_htr = jax.random.uniform(k2, (N, num_class), dtype=jnp.float32)
    match_rels = jax.random.randint(k3, (N, K), 0, num_class, dtype=jnp.int64)
    match_rels_mask = jnp.ones((N, K), dtype=jnp.float32)
    return {"logits": logits, "Match_htr": Match_htr, "match_rels": match_rels, "match_rels_mask": match_rels_mask}


def reference(logits, Match_htr, match_rels, match_rels_mask):
    N, num_class = logits.shape
    K = MAX_NUM_MATCH_RELS
    # expand_logits = logits.unsqueeze(1).repeat(1, K, 1)
    expand_logits = jnp.broadcast_to(logits[:, None, :], (N, K, num_class))
    # minus_item = torch.gather(logits, dim=1, index=match_rels)
    minus_item = jnp.take_along_axis(logits, match_rels, axis=1)  # [N, K]
    sigmoid_minus_item = jax.nn.sigmoid(minus_item)
    # topk over K dim
    _, topk_index = jax.lax.top_k(sigmoid_minus_item * match_rels_mask, MAX_NUM_LABELS)  # [N, max_num_labels]
    rows = jnp.arange(N)[:, None]
    topk_mask = jnp.zeros((N, K), dtype=jnp.float32).at[rows, topk_index].set(1.0)
    diff = expand_logits - minus_item[:, :, None]
    rank_tmp = (diff >= 0).astype(jnp.float32)
    rank = jnp.sum(rank_tmp, axis=-1)
    unmatch_htr = 1.0 - jnp.broadcast_to(Match_htr[:, None, :], (N, K, num_class))
    neg_rank = jnp.clip(jnp.sum(rank_tmp * unmatch_htr, axis=-1), 0.1, None)
    loss = neg_rank / rank
    final_mask = topk_mask * match_rels_mask
    loss = jnp.sum(loss * final_mask) / jnp.sum(final_mask)
    return loss

if __name__ == "__main__":
    import jax
    _d = setup_inputs()
    print(jax.jit(kernel)(*tuple(_d.values())))

</pallas_src>

<mosaic_0001>
#map = affine_map<(d0, d1) -> (0, 0)>
module attributes {stable_mosaic.version = 14 : i64} {
  func.func @_sc_top1(%arg0: i32, %arg1: i32, %arg2: memref<2048x1024xf32, #tpu.memory_space<hbm>>, %arg3: memref<20x2048xi32, #tpu.memory_space<hbm>>, %arg4: memref<20x2048xf32, #tpu.memory_space<hbm>>, %arg5: memref<2048x1xf32, #tpu.memory_space<hbm>>, %arg6: memref<2048x1xf32, #tpu.memory_space<hbm>>, %arg7: memref<16x1024xf32, #tpu.memory_space<vmem>>, %arg8: memref<16x1024xf32, #tpu.memory_space<vmem>>, %arg9: memref<20x128xi32, #tpu.memory_space<vmem>>, %arg10: memref<20x128xf32, #tpu.memory_space<vmem>>, %arg11: memref<64x1xf32, #tpu.memory_space<vmem>>, %arg12: memref<64x1xf32, #tpu.memory_space<vmem>>, %arg13: memref<!tpu.dma_semaphore, #tpu.memory_space<semaphore_mem>>, %arg14: memref<!tpu.dma_semaphore, #tpu.memory_space<semaphore_mem>>, %arg15: memref<!tpu.dma_semaphore, #tpu.memory_space<semaphore_mem>>, %arg16: memref<!tpu.dma_semaphore, #tpu.memory_space<semaphore_mem>>) attributes {dimension_semantics = [#tpu.dimension_semantics<core_parallel>, #tpu.dimension_semantics<subcore_parallel>], iteration_bounds = array<i64: 2, 16>, scalar_prefetch = 0 : i64, scratch_operands = 10 : i64, tpu.core_type = #tpu.core_type<sc_vector_subcore>, window_params = [{transform_indices = #map}, {transform_indices = #map}, {transform_indices = #map}, {transform_indices = #map}, {transform_indices = #map}]} {
    %mul3A = arith.constant 2 : i32
    %mul3A_0 = arith.muli %arg1, %mul3A : i32
    %add3A = arith.addi %mul3A_0, %arg0 : i32
    %mul3A_1 = arith.constant 64 : i32
    %mul3A_2 = arith.muli %add3A, %mul3A_1 : i32
    %jit3A = arith.constant 128 : i32
    %div3A = arith.divsi %mul3A_2, %jit3A : i32
    %sign3A = arith.constant 0 : i32
    %sign3A_3 = arith.cmpi sgt, %mul3A_2, %sign3A : i32
    %sign3A_4 = arith.extui %sign3A_3 : i1 to i32
    %sign3A_5 = arith.constant 0 : i32
    %sign3A_6 = arith.cmpi slt, %mul3A_2, %sign3A_5 : i32
    %sign3A_7 = arith.extui %sign3A_6 : i1 to i32
    %sign3A_8 = arith.subi %sign3A_4, %sign3A_7 : i32
    %sign3A_9 = arith.constant 0 : i32
    %sign3A_10 = arith.cmpi sgt, %jit3A, %sign3A_9 : i32
    %sign3A_11 = arith.extui %sign3A_10 : i1 to i32
    %sign3A_12 = arith.constant 0 : i32
    %sign3A_13 = arith.cmpi slt, %jit3A, %sign3A_12 : i32
    %sign3A_14 = arith.extui %sign3A_13 : i1 to i32
    %sign3A_15 = arith.subi %sign3A_11, %sign3A_14 : i32
    %ne3A = arith.cmpi ne, %sign3A_8, %sign3A_15 : i32
    %rem3A = arith.remsi %mul3A_2, %jit3A : i32
    %ne3A_16 = arith.constant 0 : i32
    %ne3A_17 = arith.cmpi ne, %rem3A, %ne3A_16 : i32
    %and3A = arith.andi %ne3A, %ne3A_17 : i1
    %sub3A = arith.constant 1 : i32
    %sub3A_18 = arith.subi %div3A, %sub3A : i32
    %select_n3A = arith.select %and3A, %sub3A_18, %div3A : i32
    %mul3A_19 = arith.constant 128 : i32
    %mul3A_20 = arith.muli %select_n3A, %mul3A_19 : i32
    %sub3A_21 = arith.subi %mul3A_2, %mul3A_20 : i32
    %dma_start3A = arith.constant 0 : i32
    %dma_start3A_22 = tpu.memref_slice %arg2[%mul3A_2, %dma_start3A] : memref<2048x1024xf32, #tpu.memory_space<hbm>> -> memref<16x1024xf32, #tpu.memory_space<hbm>>
    %dma_start3A_23 = arith.constant 0 : i32
    %dma_start3A_24 = tpu.memref_slice %arg2[%mul3A_2, %dma_start3A_23] : memref<2048x1024xf32, #tpu.memory_space<hbm>> -> memref<16x1024xf32, #tpu.memory_space<hbm>>
    tpu.enqueue_dma source(%dma_start3A_24 : memref<16x1024xf32, #tpu.memory_space<hbm>>) target(%arg7 : memref<16x1024xf32, #tpu.memory_space<vmem>>) target_semaphore(%arg13 : memref<!tpu.dma_semaphore, #tpu.memory_space<semaphore_mem>>)
    %dma_start3A_25 = arith.constant 0 : i32
    %dma_start3A_26 = tpu.memref_slice %arg3[%dma_start3A_25, %mul3A_20] : memref<20x2048xi32, #tpu.memory_space<hbm>> -> memref<20x128xi32, #tpu.memory_space<hbm>>
    %dma_start3A_27 = arith.constant 0 : i32
    %dma_start3A_28 = tpu.memref_slice %arg3[%dma_start3A_27, %mul3A_20] : memref<20x2048xi32, #tpu.memory_space<hbm>> -> memref<20x128xi32, #tpu.memory_space<hbm>>
    tpu.enqueue_dma source(%dma_start3A_28 : memref<20x128xi32, #tpu.memory_space<hbm>>) target(%arg9 : memref<20x128xi32, #tpu.memory_space<vmem>>) target_semaphore(%arg15 : memref<!tpu.dma_semaphore, #tpu.memory_space<semaphore_mem>>)
    %dma_start3A_29 = arith.constant 0 : i32
    %dma_start3A_30 = tpu.memref_slice %arg4[%dma_start3A_29, %mul3A_20] : memref<20x2048xf32, #tpu.memory_space<hbm>> -> memref<20x128xf32, #tpu.memory_space<hbm>>
    %dma_start3A_31 = arith.constant 0 : i32
    %dma_start3A_32 = tpu.memref_slice %arg4[%dma_start3A_31, %mul3A_20] : memref<20x2048xf32, #tpu.memory_space<hbm>> -> memref<20x128xf32, #tpu.memory_space<hbm>>
    tpu.enqueue_dma source(%dma_start3A_32 : memref<20x128xf32, #tpu.memory_space<hbm>>) target(%arg10 : memref<20x128xf32, #tpu.memory_space<vmem>>) target_semaphore(%arg16 : memref<!tpu.dma_semaphore, #tpu.memory_space<semaphore_mem>>)
    %dma_wait3A = arith.constant 0 : i32
    %dma_wait3A_33 = tpu.memref_slice %arg3[%dma_wait3A, %mul3A_20] : memref<20x2048xi32, #tpu.memory_space<hbm>> -> memref<20x128xi32, #tpu.memory_space<hbm>>
    %dma_wait3A_34 = arith.constant 0 : i32
    %dma_wait3A_35 = tpu.memref_slice %arg3[%dma_wait3A_34, %mul3A_20] : memref<20x2048xi32, #tpu.memory_space<hbm>> -> memref<20x128xi32, #tpu.memory_space<hbm>>
    tpu.wait_dma2 semaphore(%arg15 : memref<!tpu.dma_semaphore, #tpu.memory_space<semaphore_mem>>) src(%dma_wait3A_35 : memref<20x128xi32, #tpu.memory_space<hbm>>) dst(%arg9 : memref<20x128xi32, #tpu.memory_space<vmem>>)
    %dma_wait3A_36 = arith.constant 0 : i32
    %dma_wait3A_37 = tpu.memref_slice %arg4[%dma_wait3A_36, %mul3A_20] : memref<20x2048xf32, #tpu.memory_space<hbm>> -> memref<20x128xf32, #tpu.memory_space<hbm>>
    %dma_wait3A_38 = arith.constant 0 : i32
    %dma_wait3A_39 = tpu.memref_slice %arg4[%dma_wait3A_38, %mul3A_20] : memref<20x2048xf32, #tpu.memory_space<hbm>> -> memref<20x128xf32, #tpu.memory_space<hbm>>
    tpu.wait_dma2 semaphore(%arg16 : memref<!tpu.dma_semaphore, #tpu.memory_space<semaphore_mem>>) src(%dma_wait3A_39 : memref<20x128xf32, #tpu.memory_space<hbm>>) dst(%arg10 : memref<20x128xf32, #tpu.memory_space<vmem>>)
    %add3A_40 = arith.constant 16 : i32
    %add3A_41 = arith.addi %mul3A_2, %add3A_40 : i32
    %dma_start3A_42 = arith.constant 0 : i32
    %dma_start3A_43 = tpu.memref_slice %arg2[%add3A_41, %dma_start3A_42] : memref<2048x1024xf32, #tpu.memory_space<hbm>> -> memref<16x1024xf32, #tpu.memory_space<hbm>>
    %dma_start3A_44 = arith.constant 0 : i32
    %dma_start3A_45 = tpu.memref_slice %arg2[%add3A_41, %dma_start3A_44] : memref<2048x1024xf32, #tpu.memory_space<hbm>> -> memref<16x1024xf32, #tpu.memory_space<hbm>>
    tpu.enqueue_dma source(%dma_start3A_45 : memref<16x1024xf32, #tpu.memory_space<hbm>>) target(%arg8 : memref<16x1024xf32, #tpu.memory_space<vmem>>) target_semaphore(%arg14 : memref<!tpu.dma_semaphore, #tpu.memory_space<semaphore_mem>>)
    %dma_wait3A_46 = arith.constant 0 : i32
    %dma_wait3A_47 = tpu.memref_slice %arg2[%mul3A_2, %dma_wait3A_46] : memref<2048x1024xf32, #tpu.memory_space<hbm>> -> memref<16x1024xf32, #tpu.memory_space<hbm>>
    %dma_wait3A_48 = arith.constant 0 : i32
    %dma_wait3A_49 = tpu.memref_slice %arg2[%mul3A_2, %dma_wait3A_48] : memref<2048x1024xf32, #tpu.memory_space<hbm>> -> memref<16x1024xf32, #tpu.memory_space<hbm>>
    tpu.wait_dma2 semaphore(%arg13 : memref<!tpu.dma_semaphore, #tpu.memory_space<semaphore_mem>>) src(%dma_wait3A_49 : memref<16x1024xf32, #tpu.memory_space<hbm>>) dst(%arg7 : memref<16x1024xf32, #tpu.memory_space<vmem>>)
    %iota3A = tpu.iota {dimensions = array<i32: 0>} : vector<16xi32>
    %broadcast_in_dim3A = arith.constant -1.000000e+00 : f32
    %broadcast_in_dim3A_50 = vector.broadcast %broadcast_in_dim3A : f32 to vector<16xf32>
    %broadcast_in_dim3A_51 = arith.constant 0.000000e+00 : f32
    %broadcast_in_dim3A_52 = vector.broadcast %broadcast_in_dim3A_51 : f32 to vector<16xf32>
    %broadcast_in_dim3A_53 = arith.constant 0.000000e+00 : f32
    %broadcast_in_dim3A_54 = vector.broadcast %broadcast_in_dim3A_53 : f32 to vector<16xf32>
    %scan3A = arith.constant 0 : i32
    %scan3A_55 = arith.constant 20 : i32
    %scan3A_56 = arith.addi %scan3A, %scan3A_55 : i32
    %scan3A_57 = arith.constant 1 : i32
    %scan3A_58:3 = scf.for %scan3A_155 = %scan3A to %scan3A_56 step %scan3A_57 iter_args(%scan3A_156 = %broadcast_in_dim3A_50, %scan3A_157 = %broadcast_in_dim3A_52, %scan3A_158 = %broadcast_in_dim3A_54) -> (vector<16xf32>, vector<16xf32>, vector<16xf32>)  : i32 {
      %add3A_159 = arith.constant 0 : i32
      %add3A_160 = arith.addi %sub3A_21, %add3A_159 : i32
      %get3A = arith.index_cast %scan3A_155 : i32 to index
      %get3A_161 = arith.index_cast %add3A_160 : i32 to index
      %get3A_162 = tpu.vector_load %arg9[%get3A, %get3A_161] {strides = array<i32>} : memref<20x128xi32, #tpu.memory_space<vmem>>, vector<16xi32>,
      %add3A_163 = arith.constant 0 : i32
      %add3A_164 = arith.addi %sub3A_21, %add3A_163 : i32
      %get3A_165 = arith.index_cast %scan3A_155 : i32 to index
      %get3A_166 = arith.index_cast %add3A_164 : i32 to index
      %get3A_167 = tpu.vector_load %arg10[%get3A_165, %get3A_166] {strides = array<i32>} : memref<20x128xf32, #tpu.memory_space<vmem>>, vector<16xf32>,
      %gather3A = tpu.vector_load_idx %arg7[%iota3A, %get3A_162] : memref<16x1024xf32, #tpu.memory_space<vmem>>[vector<16xi32>, vector<16xi32>], vector<16xf32>,
      %neg3A = arith.constant 0.000000e+00 : f32
      %neg3A_168 = vector.broadcast %neg3A : f32 to vector<16xf32>
      %neg3A_169 = arith.subf %neg3A_168, %gather3A : vector<16xf32>
      %exp3A = math.exp %neg3A_169 : vector<16xf32>
      %add3A_170 = arith.constant 1.000000e+00 : f32
      %add3A_171 = vector.broadcast %add3A_170 : f32 to vector<16xf32>
      %add3A_172 = arith.addf %add3A_171, %exp3A : vector<16xf32>
      %div3A_173 = arith.divf %get3A_167, %add3A_172 : vector<16xf32>
      %gt3A = arith.cmpf ogt, %div3A_173, %scan3A_156 : vector<16xf32>
      %select_n3A_174 = arith.select %gt3A, %div3A_173, %scan3A_156 : vector<16xi1>, vector<16xf32>
      %select_n3A_175 = arith.select %gt3A, %gather3A, %scan3A_157 : vector<16xi1>, vector<16xf32>
      %select_n3A_176 = arith.select %gt3A, %get3A_167, %scan3A_158 : vector<16xi1>, vector<16xf32>
      scf.yield %select_n3A_174, %select_n3A_175, %select_n3A_176 : vector<16xf32>, vector<16xf32>, vector<16xf32>
    }
    %scan3A_59 = arith.constant 20 : i32
    %broadcast_in_dim3A_60 = arith.constant 0 : i32
    %broadcast_in_dim3A_61 = vector.broadcast %broadcast_in_dim3A_60 : i32 to vector<16xi32>
    %add3A_62 = arith.constant 0 : i32
    %add3A_63 = vector.broadcast %add3A_62 : i32 to vector<16xi32>
    %add3A_64 = arith.addi %add3A_63, %iota3A : vector<16xi32>
    tpu.vector_store_idx %arg11[%add3A_64, %broadcast_in_dim3A_61], %scan3A_58#1 : memref<64x1xf32, #tpu.memory_space<vmem>>[vector<16xi32>, vector<16xi32>], vector<16xf32>,
    %add3A_65 = arith.constant 0 : i32
    %add3A_66 = vector.broadcast %add3A_65 : i32 to vector<16xi32>
    %add3A_67 = arith.addi %add3A_66, %iota3A : vector<16xi32>
    tpu.vector_store_idx %arg12[%add3A_67, %broadcast_in_dim3A_61], %scan3A_58#2 : memref<64x1xf32, #tpu.memory_space<vmem>>[vector<16xi32>, vector<16xi32>], vector<16xf32>,
    %add3A_68 = arith.constant 32 : i32
    %add3A_69 = arith.addi %mul3A_2, %add3A_68 : i32
    %dma_start3A_70 = arith.constant 0 : i32
    %dma_start3A_71 = tpu.memref_slice %arg2[%add3A_69, %dma_start3A_70] : memref<2048x1024xf32, #tpu.memory_space<hbm>> -> memref<16x1024xf32, #tpu.memory_space<hbm>>
    %dma_start3A_72 = arith.constant 0 : i32
    %dma_start3A_73 = tpu.memref_slice %arg2[%add3A_69, %dma_start3A_72] : memref<2048x1024xf32, #tpu.memory_space<hbm>> -> memref<16x1024xf32, #tpu.memory_space<hbm>>
    tpu.enqueue_dma source(%dma_start3A_73 : memref<16x1024xf32, #tpu.memory_space<hbm>>) target(%arg7 : memref<16x1024xf32, #tpu.memory_space<vmem>>) target_semaphore(%arg13 : memref<!tpu.dma_semaphore, #tpu.memory_space<semaphore_mem>>)
    %dma_wait3A_74 = arith.constant 0 : i32
    %dma_wait3A_75 = tpu.memref_slice %arg2[%add3A_41, %dma_wait3A_74] : memref<2048x1024xf32, #tpu.memory_space<hbm>> -> memref<16x1024xf32, #tpu.memory_space<hbm>>
    %dma_wait3A_76 = arith.constant 0 : i32
    %dma_wait3A_77 = tpu.memref_slice %arg2[%add3A_41, %dma_wait3A_76] : memref<2048x1024xf32, #tpu.memory_space<hbm>> -> memref<16x1024xf32, #tpu.memory_space<hbm>>
    tpu.wait_dma2 semaphore(%arg14 : memref<!tpu.dma_semaphore, #tpu.memory_space<semaphore_mem>>) src(%dma_wait3A_77 : memref<16x1024xf32, #tpu.memory_space<hbm>>) dst(%arg8 : memref<16x1024xf32, #tpu.memory_space<vmem>>)
    %iota3A_78 = tpu.iota {dimensions = array<i32: 0>} : vector<16xi32>
    %broadcast_in_dim3A_79 = arith.constant -1.000000e+00 : f32
    %broadcast_in_dim3A_80 = vector.broadcast %broadcast_in_dim3A_79 : f32 to vector<16xf32>
    %broadcast_in_dim3A_81 = arith.constant 0.000000e+00 : f32
    %broadcast_in_dim3A_82 = vector.broadcast %broadcast_in_dim3A_81 : f32 to vector<16xf32>
    %broadcast_in_dim3A_83 = arith.constant 0.000000e+00 : f32
    %broadcast_in_dim3A_84 = vector.broadcast %broadcast_in_dim3A_83 : f32 to vector<16xf32>
    %scan3A_85 = arith.constant 0 : i32
    %scan3A_86 = arith.constant 20 : i32
    %scan3A_87 = arith.addi %scan3A_85, %scan3A_86 : i32
    %scan3A_88 = arith.constant 1 : i32
    %scan3A_89:3 = scf.for %scan3A_155 = %scan3A_85 to %scan3A_87 step %scan3A_88 iter_args(%scan3A_156 = %broadcast_in_dim3A_80, %scan3A_157 = %broadcast_in_dim3A_82, %scan3A_158 = %broadcast_in_dim3A_84) -> (vector<16xf32>, vector<16xf32>, vector<16xf32>)  : i32 {
      %add3A_159 = arith.constant 16 : i32
      %add3A_160 = arith.addi %sub3A_21, %add3A_159 : i32
      %get3A = arith.index_cast %scan3A_155 : i32 to index
      %get3A_161 = arith.index_cast %add3A_160 : i32 to index
      %get3A_162 = tpu.vector_load %arg9[%get3A, %get3A_161] {strides = array<i32>} : memref<20x128xi32, #tpu.memory_space<vmem>>, vector<16xi32>,
      %add3A_163 = arith.constant 16 : i32
      %add3A_164 = arith.addi %sub3A_21, %add3A_163 : i32
      %get3A_165 = arith.index_cast %scan3A_155 : i32 to index
      %get3A_166 = arith.index_cast %add3A_164 : i32 to index
      %get3A_167 = tpu.vector_load %arg10[%get3A_165, %get3A_166] {strides = array<i32>} : memref<20x128xf32, #tpu.memory_space<vmem>>, vector<16xf32>,
      %gather3A = tpu.vector_load_idx %arg8[%iota3A_78, %get3A_162] : memref<16x1024xf32, #tpu.memory_space<vmem>>[vector<16xi32>, vector<16xi32>], vector<16xf32>,
      %neg3A = arith.constant 0.000000e+00 : f32
      %neg3A_168 = vector.broadcast %neg3A : f32 to vector<16xf32>
      %neg3A_169 = arith.subf %neg3A_168, %gather3A : vector<16xf32>
      %exp3A = math.exp %neg3A_169 : vector<16xf32>
      %add3A_170 = arith.constant 1.000000e+00 : f32
      %add3A_171 = vector.broadcast %add3A_170 : f32 to vector<16xf32>
      %add3A_172 = arith.addf %add3A_171, %exp3A : vector<16xf32>
      %div3A_173 = arith.divf %get3A_167, %add3A_172 : vector<16xf32>
      %gt3A = arith.cmpf ogt, %div3A_173, %scan3A_156 : vector<16xf32>
      %select_n3A_174 = arith.select %gt3A, %div3A_173, %scan3A_156 : vector<16xi1>, vector<16xf32>
      %select_n3A_175 = arith.select %gt3A, %gather3A, %scan3A_157 : vector<16xi1>, vector<16xf32>
      %select_n3A_176 = arith.select %gt3A, %get3A_167, %scan3A_158 : vector<16xi1>, vector<16xf32>
      scf.yield %select_n3A_174, %select_n3A_175, %select_n3A_176 : vector<16xf32>, vector<16xf32>, vector<16xf32>
    }
    %scan3A_90 = arith.constant 20 : i32
    %broadcast_in_dim3A_91 = arith.constant 0 : i32
    %broadcast_in_dim3A_92 = vector.broadcast %broadcast_in_dim3A_91 : i32 to vector<16xi32>
    %add3A_93 = arith.constant 16 : i32
    %add3A_94 = vector.broadcast %add3A_93 : i32 to vector<16xi32>
    %add3A_95 = arith.addi %add3A_94, %iota3A_78 : vector<16xi32>
    tpu.vector_store_idx %arg11[%add3A_95, %broadcast_in_dim3A_92], %scan3A_89#1 : memref<64x1xf32, #tpu.memory_space<vmem>>[vector<16xi32>, vector<16xi32>], vector<16xf32>,
    %add3A_96 = arith.constant 16 : i32
    %add3A_97 = vector.broadcast %add3A_96 : i32 to vector<16xi32>
    %add3A_98 = arith.addi %add3A_97, %iota3A_78 : vector<16xi32>
    tpu.vector_store_idx %arg12[%add3A_98, %broadcast_in_dim3A_92], %scan3A_89#2 : memref<64x1xf32, #tpu.memory_space<vmem>>[vector<16xi32>, vector<16xi32>], vector<16xf32>,
    %add3A_99 = arith.constant 48 : i32
    %add3A_100 = arith.addi %mul3A_2, %add3A_99 : i32
    %dma_start3A_101 = arith.constant 0 : i32
    %dma_start3A_102 = tpu.memref_slice %arg2[%add3A_100, %dma_start3A_101] : memref<2048x1024xf32, #tpu.memory_space<hbm>> -> memref<16x1024xf32, #tpu.memory_space<hbm>>
    %dma_start3A_103 = arith.constant 0 : i32
    %dma_start3A_104 = tpu.memref_slice %arg2[%add3A_100, %dma_start3A_103] : memref<2048x1024xf32, #tpu.memory_space<hbm>> -> memref<16x1024xf32, #tpu.memory_space<hbm>>
    tpu.enqueue_dma source(%dma_start3A_104 : memref<16x1024xf32, #tpu.memory_space<hbm>>) target(%arg8 : memref<16x1024xf32, #tpu.memory_space<vmem>>) target_semaphore(%arg14 : memref<!tpu.dma_semaphore, #tpu.memory_space<semaphore_mem>>)
    %dma_wait3A_105 = arith.constant 0 : i32
    %dma_wait3A_106 = tpu.memref_slice %arg2[%add3A_69, %dma_wait3A_105] : memref<2048x1024xf32, #tpu.memory_space<hbm>> -> memref<16x1024xf32, #tpu.memory_space<hbm>>
    %dma_wait3A_107 = arith.constant 0 : i32
    %dma_wait3A_108 = tpu.memref_slice %arg2[%add3A_69, %dma_wait3A_107] : memref<2048x1024xf32, #tpu.memory_space<hbm>> -> memref<16x1024xf32, #tpu.memory_space<hbm>>
    tpu.wait_dma2 semaphore(%arg13 : memref<!tpu.dma_semaphore, #tpu.memory_space<semaphore_mem>>) src(%dma_wait3A_108 : memref<16x1024xf32, #tpu.memory_space<hbm>>) dst(%arg7 : memref<16x1024xf32, #tpu.memory_space<vmem>>)
    %iota3A_109 = tpu.iota {dimensions = array<i32: 0>} : vector<16xi32>
    %broadcast_in_dim3A_110 = arith.constant -1.000000e+00 : f32
    %broadcast_in_dim3A_111 = vector.broadcast %broadcast_in_dim3A_110 : f32 to vector<16xf32>
    %broadcast_in_dim3A_112 = arith.constant 0.000000e+00 : f32
    %broadcast_in_dim3A_113 = vector.broadcast %broadcast_in_dim3A_112 : f32 to vector<16xf32>
    %broadcast_in_dim3A_114 = arith.constant 0.000000e+00 : f32
    %broadcast_in_dim3A_115 = vector.broadcast %broadcast_in_dim3A_114 : f32 to vector<16xf32>
    %scan3A_116 = arith.constant 0 : i32
    %scan3A_117 = arith.constant 20 : i32
    %scan3A_118 = arith.addi %scan3A_116, %scan3A_117 : i32
    %scan3A_119 = arith.constant 1 : i32
    %scan3A_120:3 = scf.for %scan3A_155 = %scan3A_116 to %scan3A_118 step %scan3A_119 iter_args(%scan3A_156 = %broadcast_in_dim3A_111, %scan3A_157 = %broadcast_in_dim3A_113, %scan3A_158 = %broadcast_in_dim3A_115) -> (vector<16xf32>, vector<16xf32>, vector<16xf32>)  : i32 {
      %add3A_159 = arith.constant 32 : i32
      %add3A_160 = arith.addi %sub3A_21, %add3A_159 : i32
      %get3A = arith.index_cast %scan3A_155 : i32 to index
      %get3A_161 = arith.index_cast %add3A_160 : i32 to index
      %get3A_162 = tpu.vector_load %arg9[%get3A, %get3A_161] {strides = array<i32>} : memref<20x128xi32, #tpu.memory_space<vmem>>, vector<16xi32>,
      %add3A_163 = arith.constant 32 : i32
      %add3A_164 = arith.addi %sub3A_21, %add3A_163 : i32
      %get3A_165 = arith.index_cast %scan3A_155 : i32 to index
      %get3A_166 = arith.index_cast %add3A_164 : i32 to index
      %get3A_167 = tpu.vector_load %arg10[%get3A_165, %get3A_166] {strides = array<i32>} : memref<20x128xf32, #tpu.memory_space<vmem>>, vector<16xf32>,
      %gather3A = tpu.vector_load_idx %arg7[%iota3A_109, %get3A_162] : memref<16x1024xf32, #tpu.memory_space<vmem>>[vector<16xi32>, vector<16xi32>], vector<16xf32>,
      %neg3A = arith.constant 0.000000e+00 : f32
      %neg3A_168 = vector.broadcast %neg3A : f32 to vector<16xf32>
      %neg3A_169 = arith.subf %neg3A_168, %gather3A : vector<16xf32>
      %exp3A = math.exp %neg3A_169 : vector<16xf32>
      %add3A_170 = arith.constant 1.000000e+00 : f32
      %add3A_171 = vector.broadcast %add3A_170 : f32 to vector<16xf32>
      %add3A_172 = arith.addf %add3A_171, %exp3A : vector<16xf32>
      %div3A_173 = arith.divf %get3A_167, %add3A_172 : vector<16xf32>
      %gt3A = arith.cmpf ogt, %div3A_173, %scan3A_156 : vector<16xf32>
      %select_n3A_174 = arith.select %gt3A, %div3A_173, %scan3A_156 : vector<16xi1>, vector<16xf32>
      %select_n3A_175 = arith.select %gt3A, %gather3A, %scan3A_157 : vector<16xi1>, vector<16xf32>
      %select_n3A_176 = arith.select %gt3A, %get3A_167, %scan3A_158 : vector<16xi1>, vector<16xf32>
      scf.yield %select_n3A_174, %select_n3A_175, %select_n3A_176 : vector<16xf32>, vector<16xf32>, vector<16xf32>
    }
    %scan3A_121 = arith.constant 20 : i32
    %broadcast_in_dim3A_122 = arith.constant 0 : i32
    %broadcast_in_dim3A_123 = vector.broadcast %broadcast_in_dim3A_122 : i32 to vector<16xi32>
    %add3A_124 = arith.constant 32 : i32
    %add3A_125 = vector.broadcast %add3A_124 : i32 to vector<16xi32>
    %add3A_126 = arith.addi %add3A_125, %iota3A_109 : vector<16xi32>
    tpu.vector_store_idx %arg11[%add3A_126, %broadcast_in_dim3A_123], %scan3A_120#1 : memref<64x1xf32, #tpu.memory_space<vmem>>[vector<16xi32>, vector<16xi32>], vector<16xf32>,
    %add3A_127 = arith.constant 32 : i32
    %add3A_128 = vector.broadcast %add3A_127 : i32 to vector<16xi32>
    %add3A_129 = arith.addi %add3A_128, %iota3A_109 : vector<16xi32>
    tpu.vector_store_idx %arg12[%add3A_129, %broadcast_in_dim3A_123], %scan3A_120#2 : memref<64x1xf32, #tpu.memory_space<vmem>>[vector<16xi32>, vector<16xi32>], vector<16xf32>,
    %dma_wait3A_130 = arith.constant 0 : i32
    %dma_wait3A_131 = tpu.memref_slice %arg2[%add3A_100, %dma_wait3A_130] : memref<2048x1024xf32, #tpu.memory_space<hbm>> -> memref<16x1024xf32, #tpu.memory_space<hbm>>
    %dma_wait3A_132 = arith.constant 0 : i32
    %dma_wait3A_133 = tpu.memref_slice %arg2[%add3A_100, %dma_wait3A_132] : memref<2048x1024xf32, #tpu.memory_space<hbm>> -> memref<16x1024xf32, #tpu.memory_space<hbm>>
    tpu.wait_dma2 semaphore(%arg14 : memref<!tpu.dma_semaphore, #tpu.memory_space<semaphore_mem>>) src(%dma_wait3A_133 : memref<16x1024xf32, #tpu.memory_space<hbm>>) dst(%arg8 : memref<16x1024xf32, #tpu.memory_space<vmem>>)
    %iota3A_134 = tpu.iota {dimensions = array<i32: 0>} : vector<16xi32>
    %broadcast_in_dim3A_135 = arith.constant -1.000000e+00 : f32
    %broadcast_in_dim3A_136 = vector.broadcast %broadcast_in_dim3A_135 : f32 to vector<16xf32>
    %broadcast_in_dim3A_137 = arith.constant 0.000000e+00 : f32
    %broadcast_in_dim3A_138 = vector.broadcast %broadcast_in_dim3A_137 : f32 to vector<16xf32>
    %broadcast_in_dim3A_139 = arith.constant 0.000000e+00 : f32
    %broadcast_in_dim3A_140 = vector.broadcast %broadcast_in_dim3A_139 : f32 to vector<16xf32>
    %scan3A_141 = arith.constant 0 : i32
    %scan3A_142 = arith.constant 20 : i32
    %scan3A_143 = arith.addi %scan3A_141, %scan3A_142 : i32
    %scan3A_144 = arith.constant 1 : i32
    %scan3A_145:3 = scf.for %scan3A_155 = %scan3A_141 to %scan3A_143 step %scan3A_144 iter_args(%scan3A_156 = %broadcast_in_dim3A_136, %scan3A_157 = %broadcast_in_dim3A_138, %scan3A_158 = %broadcast_in_dim3A_140) -> (vector<16xf32>, vector<16xf32>, vector<16xf32>)  : i32 {
      %add3A_159 = arith.constant 48 : i32
      %add3A_160 = arith.addi %sub3A_21, %add3A_159 : i32
      %get3A = arith.index_cast %scan3A_155 : i32 to index
      %get3A_161 = arith.index_cast %add3A_160 : i32 to index
      %get3A_162 = tpu.vector_load %arg9[%get3A, %get3A_161] {strides = array<i32>} : memref<20x128xi32, #tpu.memory_space<vmem>>, vector<16xi32>,
      %add3A_163 = arith.constant 48 : i32
      %add3A_164 = arith.addi %sub3A_21, %add3A_163 : i32
      %get3A_165 = arith.index_cast %scan3A_155 : i32 to index
      %get3A_166 = arith.index_cast %add3A_164 : i32 to index
      %get3A_167 = tpu.vector_load %arg10[%get3A_165, %get3A_166] {strides = array<i32>} : memref<20x128xf32, #tpu.memory_space<vmem>>, vector<16xf32>,
      %gather3A = tpu.vector_load_idx %arg8[%iota3A_134, %get3A_162] : memref<16x1024xf32, #tpu.memory_space<vmem>>[vector<16xi32>, vector<16xi32>], vector<16xf32>,
      %neg3A = arith.constant 0.000000e+00 : f32
      %neg3A_168 = vector.broadcast %neg3A : f32 to vector<16xf32>
      %neg3A_169 = arith.subf %neg3A_168, %gather3A : vector<16xf32>
      %exp3A = math.exp %neg3A_169 : vector<16xf32>
      %add3A_170 = arith.constant 1.000000e+00 : f32
      %add3A_171 = vector.broadcast %add3A_170 : f32 to vector<16xf32>
      %add3A_172 = arith.addf %add3A_171, %exp3A : vector<16xf32>
      %div3A_173 = arith.divf %get3A_167, %add3A_172 : vector<16xf32>
      %gt3A = arith.cmpf ogt, %div3A_173, %scan3A_156 : vector<16xf32>
      %select_n3A_174 = arith.select %gt3A, %div3A_173, %scan3A_156 : vector<16xi1>, vector<16xf32>
      %select_n3A_175 = arith.select %gt3A, %gather3A, %scan3A_157 : vector<16xi1>, vector<16xf32>
      %select_n3A_176 = arith.select %gt3A, %get3A_167, %scan3A_158 : vector<16xi1>, vector<16xf32>
      scf.yield %select_n3A_174, %select_n3A_175, %select_n3A_176 : vector<16xf32>, vector<16xf32>, vector<16xf32>
    }
    %scan3A_146 = arith.constant 20 : i32
    %broadcast_in_dim3A_147 = arith.constant 0 : i32
    %broadcast_in_dim3A_148 = vector.broadcast %broadcast_in_dim3A_147 : i32 to vector<16xi32>
    %add3A_149 = arith.constant 48 : i32
    %add3A_150 = vector.broadcast %add3A_149 : i32 to vector<16xi32>
    %add3A_151 = arith.addi %add3A_150, %iota3A_134 : vector<16xi32>
    tpu.vector_store_idx %arg11[%add3A_151, %broadcast_in_dim3A_148], %scan3A_145#1 : memref<64x1xf32, #tpu.memory_space<vmem>>[vector<16xi32>, vector<16xi32>], vector<16xf32>,
    %add3A_152 = arith.constant 48 : i32
    %add3A_153 = vector.broadcast %add3A_152 : i32 to vector<16xi32>
    %add3A_154 = arith.addi %add3A_153, %iota3A_134 : vector<16xi32>
    tpu.vector_store_idx %arg12[%add3A_154, %broadcast_in_dim3A_148], %scan3A_145#2 : memref<64x1xf32, #tpu.memory_space<vmem>>[vector<16xi32>, vector<16xi32>], vector<16xf32>,
    "tpu.region"() ({
      %run_scoped3A = tpu.sem_alloc : memref<!tpu.dma_semaphore, #tpu.memory_space<semaphore_mem>>
      %dma_start3A_155 = arith.constant 0 : i32
      %dma_start3A_156 = tpu.memref_slice %arg5[%mul3A_2, %dma_start3A_155] : memref<2048x1xf32, #tpu.memory_space<hbm>> -> memref<64x1xf32, #tpu.memory_space<hbm>>
      %dma_start3A_157 = arith.constant 0 : i32
      %dma_start3A_158 = tpu.memref_slice %arg5[%mul3A_2, %dma_start3A_157] : memref<2048x1xf32, #tpu.memory_space<hbm>> -> memref<64x1xf32, #tpu.memory_space<hbm>>
      tpu.enqueue_dma source(%arg11 : memref<64x1xf32, #tpu.memory_space<vmem>>) target(%dma_start3A_158 : memref<64x1xf32, #tpu.memory_space<hbm>>) target_semaphore(%run_scoped3A : memref<!tpu.dma_semaphore, #tpu.memory_space<semaphore_mem>>)
      %dma_wait3A_159 = arith.constant 0 : i32
      %dma_wait3A_160 = tpu.memref_slice %arg5[%mul3A_2, %dma_wait3A_159] : memref<2048x1xf32, #tpu.memory_space<hbm>> -> memref<64x1xf32, #tpu.memory_space<hbm>>
      %dma_wait3A_161 = arith.constant 0 : i32
      %dma_wait3A_162 = tpu.memref_slice %arg5[%mul3A_2, %dma_wait3A_161] : memref<2048x1xf32, #tpu.memory_space<hbm>> -> memref<64x1xf32, #tpu.memory_space<hbm>>
      tpu.wait_dma2 semaphore(%run_scoped3A : memref<!tpu.dma_semaphore, #tpu.memory_space<semaphore_mem>>) src(%arg11 : memref<64x1xf32, #tpu.memory_space<vmem>>) dst(%dma_wait3A_162 : memref<64x1xf32, #tpu.memory_space<hbm>>)
      tpu.yield
    }) : () -> ()
    "tpu.region"() ({
      %run_scoped3A = tpu.sem_alloc : memref<!tpu.dma_semaphore, #tpu.memory_space<semaphore_mem>>
      %dma_start3A_155 = arith.constant 0 : i32
      %dma_start3A_156 = tpu.memref_slice %arg6[%mul3A_2, %dma_start3A_155] : memref<2048x1xf32, #tpu.memory_space<hbm>> -> memref<64x1xf32, #tpu.memory_space<hbm>>
      %dma_start3A_157 = arith.constant 0 : i32
      %dma_start3A_158 = tpu.memref_slice %arg6[%mul3A_2, %dma_start3A_157] : memref<2048x1xf32, #tpu.memory_space<hbm>> -> memref<64x1xf32, #tpu.memory_space<hbm>>
      tpu.enqueue_dma source(%arg12 : memref<64x1xf32, #tpu.memory_space<vmem>>) target(%dma_start3A_158 : memref<64x1xf32, #tpu.memory_space<hbm>>) target_semaphore(%run_scoped3A : memref<!tpu.dma_semaphore, #tpu.memory_space<semaphore_mem>>)
      %dma_wait3A_159 = arith.constant 0 : i32
      %dma_wait3A_160 = tpu.memref_slice %arg6[%mul3A_2, %dma_wait3A_159] : memref<2048x1xf32, #tpu.memory_space<hbm>> -> memref<64x1xf32, #tpu.memory_space<hbm>>
      %dma_wait3A_161 = arith.constant 0 : i32
      %dma_wait3A_162 = tpu.memref_slice %arg6[%mul3A_2, %dma_wait3A_161] : memref<2048x1xf32, #tpu.memory_space<hbm>> -> memref<64x1xf32, #tpu.memory_space<hbm>>
      tpu.wait_dma2 semaphore(%run_scoped3A : memref<!tpu.dma_semaphore, #tpu.memory_space<semaphore_mem>>) src(%arg12 : memref<64x1xf32, #tpu.memory_space<vmem>>) dst(%dma_wait3A_162 : memref<64x1xf32, #tpu.memory_space<hbm>>)
      tpu.yield
    }) : () -> ()
    return
  }
}

module attributes {stable_mosaic.version = 14 : i64} {
  func.func @_tc_loss_body(%arg0: i32, %arg1: memref<1024x1024xf32, #tpu.memory_space<vmem>>, %arg2: memref<1024x1024xf32, #tpu.memory_space<vmem>>, %arg3: memref<1024x1xf32, #tpu.memory_space<vmem>>, %arg4: memref<1024x1xf32, #tpu.memory_space<vmem>>, %arg5: memref<1x1xf32, #tpu.memory_space<smem>>, %arg6: memref<2xf32, #tpu.memory_space<smem>>) attributes {dimension_semantics = [#tpu.dimension_semantics<arbitrary>], iteration_bounds = array<i64: 2>, scalar_prefetch = 0 : i64, scratch_operands = 1 : i64, tpu.core_type = #tpu.core_type<tc>, window_params = [{transform_indices = @transform_0, window_bounds = array<i64: 1024, 1024>}, {transform_indices = @transform_1, window_bounds = array<i64: 1024, 1024>}, {transform_indices = @transform_2, window_bounds = array<i64: 1024, 1>}, {transform_indices = @transform_3, window_bounds = array<i64: 1024, 1>}, {transform_indices = @transform_4, window_bounds = array<i64: 1, 1>}]} {
    %eq3A = arith.constant 0 : i32
    %eq3A_0 = arith.cmpi eq, %arg0, %eq3A : i32
    %convert_element_type3A = arith.extui %eq3A_0 : i1 to i32
    %cond3A = arith.constant 0 : i32
    %cond3A_1 = arith.cmpi ne, %convert_element_type3A, %cond3A : i32
    scf.if %cond3A_1 {
      %swap3A_48 = arith.constant 0.000000e+00 : f32
      %swap3A_49 = arith.constant 0 : index
      %swap3A_50 = memref.load %arg6[%swap3A_49] : memref<2xf32, #tpu.memory_space<smem>>
      memref.store %swap3A_48, %arg6[%swap3A_49] : memref<2xf32, #tpu.memory_space<smem>>
      %swap3A_51 = arith.constant 0.000000e+00 : f32
      %swap3A_52 = arith.constant 1 : index
      %swap3A_53 = memref.load %arg6[%swap3A_52] : memref<2xf32, #tpu.memory_space<smem>>
      memref.store %swap3A_51, %arg6[%swap3A_52] : memref<2xf32, #tpu.memory_space<smem>>
    } else {
    }
    %get3A = arith.constant 0 : index
    %get3A_2 = arith.constant 0 : index
    %get3A_3 = vector.load %arg1[%get3A, %get3A_2] : memref<1024x1024xf32, #tpu.memory_space<vmem>>, vector<1024x1024xf32>
    %get3A_4 = arith.constant 0 : index
    %get3A_5 = arith.constant 0 : index
    %get3A_6 = vector.load %arg3[%get3A_4, %get3A_5] : memref<1024x1xf32, #tpu.memory_space<vmem>>, vector<1024x1xf32>
    %ge3A = vector.broadcast %get3A_6 : vector<1024x1xf32> to vector<1024x1024xf32>
    %ge3A_7 = arith.cmpf oge, %get3A_3, %ge3A : vector<1024x1024xf32>
    %convert_element_type3A_8 = arith.extui %ge3A_7 : vector<1024x1024xi1> to vector<1024x1024xi32>
    %convert_element_type3A_9 = arith.sitofp %convert_element_type3A_8 : vector<1024x1024xi32> to vector<1024x1024xf32>
    %reduce_sum3A = arith.constant dense<0.000000e+00> : vector<1024xf32>
    %reduce_sum3A_10 = vector.multi_reduction <add>, %convert_element_type3A_9, %reduce_sum3A [1] : vector<1024x1024xf32> to vector<1024xf32>
    %broadcast_in_dim3A = vector.shape_cast %reduce_sum3A_10 : vector<1024xf32> to vector<1024x1xf32>
    %get3A_11 = arith.constant 0 : index
    %get3A_12 = arith.constant 0 : index
    %get3A_13 = vector.load %arg2[%get3A_11, %get3A_12] : memref<1024x1024xf32, #tpu.memory_space<vmem>>, vector<1024x1024xf32>
    %sub3A = arith.constant 1.000000e+00 : f32
    %sub3A_14 = vector.broadcast %sub3A : f32 to vector<1024x1024xf32>
    %sub3A_15 = arith.subf %sub3A_14, %get3A_13 : vector<1024x1024xf32>
    %mul3A = arith.mulf %convert_element_type3A_9, %sub3A_15 : vector<1024x1024xf32>
    %reduce_sum3A_16 = arith.constant dense<0.000000e+00> : vector<1024xf32>
    %reduce_sum3A_17 = vector.multi_reduction <add>, %mul3A, %reduce_sum3A_16 [1] : vector<1024x1024xf32> to vector<1024xf32>
    %broadcast_in_dim3A_18 = vector.shape_cast %reduce_sum3A_17 : vector<1024xf32> to vector<1024x1xf32>
    %max3A = arith.constant 1.000000e-01 : f32
    %max3A_19 = vector.broadcast %max3A : f32 to vector<1024x1xf32>
    %max3A_20 = arith.maximumf %broadcast_in_dim3A_18, %max3A_19 : vector<1024x1xf32>
    %get3A_21 = arith.constant 0 : index
    %get3A_22 = arith.constant 0 : index
    %get3A_23 = vector.load %arg4[%get3A_21, %get3A_22] : memref<1024x1xf32, #tpu.memory_space<vmem>>, vector<1024x1xf32>
    %get3A_24 = arith.constant 0 : index
    %get3A_25 = memref.load %arg6[%get3A_24] : memref<2xf32, #tpu.memory_space<smem>>
    %mul3A_26 = arith.mulf %get3A_23, %max3A_20 : vector<1024x1xf32>
    %div3A = arith.divf %mul3A_26, %broadcast_in_dim3A : vector<1024x1xf32>
    %reduce_sum3A_27 = vector.shape_cast %div3A : vector<1024x1xf32> to vector<1x1024x1xf32>
    %reduce_sum3A_28 = arith.constant dense<0.000000e+00> : vector<1xf32>
    %reduce_sum3A_29 = vector.multi_reduction <add>, %reduce_sum3A_27, %reduce_sum3A_28 [1, 2] : vector<1x1024x1xf32> to vector<1xf32>
    %reduce_sum3A_30 = vector.shape_cast %reduce_sum3A_29 : vector<1xf32> to vector<1x1x1xf32>
    %reduce_sum3A_31 = vector.extract %reduce_sum3A_30[0, 0, 0] : f32 from vector<1x1x1xf32>
    %add3A = arith.addf %get3A_25, %reduce_sum3A_31 : f32
    %swap3A = arith.constant 0 : index
    %swap3A_32 = memref.load %arg6[%swap3A] : memref<2xf32, #tpu.memory_space<smem>>
    memref.store %add3A, %arg6[%swap3A] : memref<2xf32, #tpu.memory_space<smem>>
    %get3A_33 = arith.constant 1 : index
    %get3A_34 = memref.load %arg6[%get3A_33] : memref<2xf32, #tpu.memory_space<smem>>
    %reduce_sum3A_35 = vector.shape_cast %get3A_23 : vector<1024x1xf32> to vector<1x1024x1xf32>
    %reduce_sum3A_36 = arith.constant dense<0.000000e+00> : vector<1xf32>
    %reduce_sum3A_37 = vector.multi_reduction <add>, %reduce_sum3A_35, %reduce_sum3A_36 [1, 2] : vector<1x1024x1xf32> to vector<1xf32>
    %reduce_sum3A_38 = vector.shape_cast %reduce_sum3A_37 : vector<1xf32> to vector<1x1x1xf32>
    %reduce_sum3A_39 = vector.extract %reduce_sum3A_38[0, 0, 0] : f32 from vector<1x1x1xf32>
    %add3A_40 = arith.addf %get3A_34, %reduce_sum3A_39 : f32
    %swap3A_41 = arith.constant 1 : index
    %swap3A_42 = memref.load %arg6[%swap3A_41] : memref<2xf32, #tpu.memory_space<smem>>
    memref.store %add3A_40, %arg6[%swap3A_41] : memref<2xf32, #tpu.memory_space<smem>>
    %eq3A_43 = arith.constant 1 : i32
    %eq3A_44 = arith.cmpi eq, %arg0, %eq3A_43 : i32
    %convert_element_type3A_45 = arith.extui %eq3A_44 : i1 to i32
    %cond3A_46 = arith.constant 0 : i32
    %cond3A_47 = arith.cmpi ne, %convert_element_type3A_45, %cond3A_46 : i32
    scf.if %cond3A_47 {
      %get3A_48 = arith.constant 0 : index
      %get3A_49 = memref.load %arg6[%get3A_48] : memref<2xf32, #tpu.memory_space<smem>>
      %get3A_50 = arith.constant 1 : index
      %get3A_51 = memref.load %arg6[%get3A_50] : memref<2xf32, #tpu.memory_space<smem>>
      %div3A_52 = arith.divf %get3A_49, %get3A_51 : f32
      %swap3A_53 = arith.constant 0 : index
      %swap3A_54 = arith.constant 0 : index
      %swap3A_55 = memref.load %arg5[%swap3A_53, %swap3A_54] : memref<1x1xf32, #tpu.memory_space<smem>>
      memref.store %div3A_52, %arg5[%swap3A_53, %swap3A_54] : memref<1x1xf32, #tpu.memory_space<smem>>
    } else {
    }
    return
  }
  func.func @transform_0(%arg0: i32) -> (i32, i32) {
    %c0_i32 = arith.constant 0 : i32
    %c0_i32_0 = arith.constant 0 : i32
    return %arg0, %c0_i32 : i32, i32
  }
  func.func @transform_1(%arg0: i32) -> (i32, i32) {
    %c0_i32 = arith.constant 0 : i32
    %c0_i32_0 = arith.constant 0 : i32
    return %arg0, %c0_i32 : i32, i32
  }
  func.func @transform_2(%arg0: i32) -> (i32, i32) {
    %c0_i32 = arith.constant 0 : i32
    %c0_i32_0 = arith.constant 0 : i32
    return %arg0, %c0_i32 : i32, i32
  }
  func.func @transform_3(%arg0: i32) -> (i32, i32) {
    %c0_i32 = arith.constant 0 : i32
    %c0_i32_0 = arith.constant 0 : i32
    return %arg0, %c0_i32 : i32, i32
  }
  func.func @transform_4(%arg0: i32) -> (i32, i32) {
    %c0_i32 = arith.constant 0 : i32
    %c0_i32_0 = arith.constant 0 : i32
    %c0_i32_1 = arith.constant 0 : i32
    return %c0_i32, %c0_i32_0 : i32, i32
  }
}

</mosaic_0001>

<sc_bundles>
// kernel: kernel.4.cloned.1.call-start
scs
__scs_entry_jumppad:
0x0: {  	(pc) =	sbr.rel $0x88, $3  }
0x1: {  	(tag) =	ssettag $0x0;
	lr =	simm.s32 $0x1  }
0x2: {  	[smem:$0x3F9D] =	sst lr;
	_ =	strace $0xD0000000  }
0x3: {  	_ = 	snop  }
0x4: {  	_ = 	snop  }
0x5: {  	_ = 	snop  }
0x6: {  	_ = 	snop  }
0x7: {  	_ = 	snop  }
__scs_overlays_trampoline_lowered:
0x8: {  	[smem:$0x3FAC] =	sst s0  }
0x9: {  	[smem:$0x3FAD] =	sst s1  }
0xa: {  	[smem:$0x3FAE] =	sst s2  }
0xb: {  	[smem:$0x3FAF] =	sst s3  }
0xc: {  	[smem:$0x3FB0] =	sst s4  }
0xd: {  	[smem:$0x3FB1] =	sst s5  }
0xe: {  	[smem:$0x3FB2] =	sst s6  }
0xf: {  	[smem:$0x3FB3] =	sst s7  }
0x10: {  	[smem:$0x3FB4] =	sst s8  }
0x11: {  	[smem:$0x3FB5] =	sst s9;
	s0 =	simm.s32 @!p0 $0x0  }
0x12: {  	s1 =	sld [smem:$0x3F9B];
	s0 =	simm.s32 @p0 $0x1  }
0x13: {  	[smem:$0x3FB6] =	sst s0;
	s0 =	simm.s32 @!p1 $0x0  }
0x14: {  	s2 =	sld [smem:$0x3F9A];
	s0 =	simm.s32 @p1 $0x1  }
0x15: {  	[smem:$0x3FB7] =	sst s0;
	s0 =	simm.s32 @!p2 $0x0  }
0x16: {  	s3 =	sld [smem:$0x3FDB];
	s0 =	simm.s32 @p2 $0x1  }
0x17: {  	s4 =	simm.s32 $0x1BF5;
	[smem:$0x3FB9] =	sst s0  }
0x18: {  	s0 =	sld [smem:$0x3F9C];
	_ =	swait.ge [sflag:s4], $0x0  }
0x19: {  	s7 =	sld [smem:$0x3F9D]  }
0x1a: {  	s8 =	sadd.s32 $0xFFFFE003, lr  }
0x1b: {  	s9 =	sadd.s32 $0xFFFFFEF7, lr;
	s5 =	simm.s32 $0xFFFFFFFF;
	p2 =	slt.u32 s8, $0xFFFFF086  }
0x1c: {  	p1 =	slt.u32 s9, $0xF7A;
	s5 =	simm.s32 @!p2 $0x0  }
0x1d: {  	s5 =	simm.s32 @p1 $0x1;
	p0 =	seq.s32 s7, s2  }
0x1e: {  	s7 =	smul.u32 @!p0 $0xF7A, s2;
	p2 =	seq.s32 @!p0 s5, $0x0  }
0x1f: {  	s9 =	smul.u32 $0xF7A, s1;
	s8 =	simm.s32 @!p0 $0x1BF5;
	p2 =	por !p2, p0  }
0x20: {  	[sflag:s8] =	ssyncset.s32 @!p0 $0xFFFFF086;
	s6 =	sadd.s32 @!p0 s3, s7;
	s7 =	simm.s32 @!p0 $0x108  }
0x21: {  	s3 =	sadd.s32 s3, s9;
	s6 =	sadd.s32 @!p0 $0x88, s6;
	s7 =	simm.s32 @p2 $0x1082  }
0x22: {  	[simem:s7], [sflag:s8] =	dma.local @!p0 [hbm:s6], $0xF7A  }
0x23: {  	s9 =	sor.u32 $0xD0000000, s2;
	s6 =	simm.s32 $0x108;
	_ =	swait.ge @!p0 [sflag:s8], $0x0  }
0x24: {  	s3 =	sadd.s32 $0x88, s3;
	s6 =	simm.s32 @!p1 $0x1082;
	[sflag:s4] =	ssyncset.s32 $0xFFFFF086  }
0x25: {  	[simem:s6], [sflag:s4] =	dma.local [hbm:s3], $0xF7A  }
0x26: {  	[smem:$0x3F9D] =	sst s1;
	(tag) =	ssettag s2;
	_ =	strace s9  }
0x27: {  	s1 =	sld [smem:$0x3FAD]  }
0x28: {  	s2 =	sld [smem:$0x3FAE]  }
0x29: {  	s4 =	sld [smem:$0x3FB0]  }
0x2a: {  	p0 =	seq.s32 s5, $0x0;
	s5 =	sld [smem:$0x3FB1]  }
0x2b: {  	s6 =	sld [smem:$0x3FB2]  }
0x2c: {  	s7 =	sld [smem:$0x3FB3]  }
0x2d: {  	s3 =	simm.s32 $0x108;
	s8 =	sld [smem:$0x3FB4]  }
0x2e: {  	s3 =	simm.s32 @!p0 $0x1082;
	s9 =	sld [smem:$0x3FB5]  }
0x2f: {  	lr =	sadd.s32 s0, s3;
	s0 =	sld [smem:$0x3FAC]  }
0x30: {  	s3 =	sld [smem:$0x3FAF]  }
0x31: {  	[smem:$0x3FB8] =	sst s10  }
0x32: {  	s10 =	sld [smem:$0x3FB6];
	_ =	sdelay $0x3  }
0x33: {  	p0 =	seq.s32 s10, $0x1;
	s10 =	sld [smem:$0x3FB8];
	_ =	sdelay $0x3  }
0x34: {  	[smem:$0x3FB8] =	sst s10  }
0x35: {  	s10 =	sld [smem:$0x3FB7];
	_ =	sdelay $0x3  }
0x36: {  	p1 =	seq.s32 s10, $0x1;
	s10 =	sld [smem:$0x3FB8];
	_ =	sdelay $0x3  }
0x37: {  	[smem:$0x3FB8] =	sst s10  }
0x38: {  	s10 =	sld [smem:$0x3FB9]  }
0x39: {  	_ = 	snop;
	(pc) =	sbr.ind lr, $3  }
0x3a: {  	_ = 	snop  }
0x3b: {  	_ = 	snop  }
0x3c: {  	p2 =	seq.s32 s10, $0x1;
	s10 =	sld [smem:$0x3FB8]  }
0x3d: {  	_ =	shalt  }
0x3e: {  	_ =	shalt  }
0x3f: {  	_ =	shalt  }
0x40: {  	_ =	shalt  }
0x41: {  	_ =	shalt  }
0x42: {  	_ =	shalt  }
0x43: {  	_ =	shalt  }
0x44: {  	_ =	shalt  }
0x45: {  	_ =	shalt  }
0x46: {  	_ =	shalt  }
0x47: {  	_ =	shalt  }
0x48: {  	_ =	shalt  }
0x49: {  	_ =	shalt  }
0x4a: {  	_ =	shalt  }
0x4b: {  	_ =	shalt  }
0x4c: {  	_ =	shalt  }
0x4d: {  	_ =	shalt  }
0x4e: {  	_ =	shalt  }
0x4f: {  	_ =	shalt  }
0x50: {  	_ =	shalt  }
0x51: {  	_ =	shalt  }
0x52: {  	_ =	shalt  }
0x53: {  	_ =	shalt  }
0x54: {  	_ =	shalt  }
0x55: {  	_ =	shalt  }
0x56: {  	_ =	shalt  }
0x57: {  	_ =	shalt  }
0x58: {  	_ =	shalt  }
0x59: {  	_ =	shalt  }
0x5a: {  	_ =	shalt  }
0x5b: {  	_ =	shalt  }
0x5c: {  	_ =	shalt  }
0x5d: {  	_ =	shalt  }
0x5e: {  	_ =	shalt  }
0x5f: {  	_ =	shalt  }
0x60: {  	_ =	shalt  }
0x61: {  	_ =	shalt  }
0x62: {  	_ =	shalt  }
0x63: {  	_ =	shalt  }
0x64: {  	_ =	shalt  }
0x65: {  	_ =	shalt  }
0x66: {  	_ =	shalt  }
0x67: {  	_ =	shalt  }
0x68: {  	_ =	shalt  }
0x69: {  	_ =	shalt  }
0x6a: {  	_ =	shalt  }
0x6b: {  	_ =	shalt  }
0x6c: {  	_ =	shalt  }
0x6d: {  	_ =	shalt  }
0x6e: {  	_ =	shalt  }
0x6f: {  	_ =	shalt  }
0x70: {  	_ =	shalt  }
0x71: {  	_ =	shalt  }
0x72: {  	_ =	shalt  }
0x73: {  	_ =	shalt  }
0x74: {  	_ =	shalt  }
0x75: {  	_ =	shalt  }
0x76: {  	_ =	shalt  }
0x77: {  	_ =	shalt  }
0x78: {  	_ =	shalt  }
0x79: {  	_ =	shalt  }
0x7a: {  	_ =	shalt  }
0x7b: {  	_ =	shalt  }
0x7c: {  	_ =	shalt  }
0x7d: {  	_ =	shalt  }
0x7e: {  	_ =	shalt  }
0x7f: {  	_ =	shalt  }
0x80: {  	_ =	shalt  }
0x81: {  	_ =	shalt  }
0x82: {  	_ =	shalt  }
0x83: {  	_ =	shalt  }
0x84: {  	_ =	shalt  }
0x85: {  	_ =	shalt  }
0x86: {  	_ =	shalt  }
0x87: {  	_ =	shalt  }
.Lfunc_end0:
.L_simem_size_0:
called_computation_lowered:
.L_overlay_start_0:
0x88: {  	s2 =	sld [smem:$0x3FD9]  }
0x89: {  	s3 =	sld [smem:$0x3FFE];
	_ =	sdelay $0x1  }
0x8a: {  	s1 =	srdreg.scid  }
0x8b: {  	s0 =	sand.u32 $0x1, s1  }
0x8c: {  	s17 =	sshll.u32 s0, $0xA;
	s2 =	sadd.s32 s3, s2  }
0x8d: {  	s2 =	sadd.s32 s2, s17  }
0x8e: {  	[smem:$0x3FC4] =	sst s2  }
0x8f: {  	_ = 	snop  }
0x90: {  	s2 =	sld [smem:$0x3FC9]  }
0x91: {  	s18 =	sld [smem:$0x3FC7]  }
0x92: {  	s4 =	sld [smem:$0x3FC6];
	(tm) =	ssettm $0x1  }
0x93: {  	s5 =	sld [smem:$0x3FFB];
	_ =	sdelay $0x3  }
0x94: {  	_ =	strace s5  }
0x95: {  	s5 =	sld [smem:$0x3FFC];
	_ =	sdelay $0x3  }
0x96: {  	_ =	strace s5  }
0x97: {  	s5 =	sld [smem:$0x3FFD];
	_ =	sdelay $0x3  }
0x98: {  	_ =	strace s5  }
0x99: {  	_ =	strace $0x8FFFFFFF  }
0x9a: {  	s19 =	sld [smem:$0x3FDB];
	_ =	sdelay $0x1  }
0x9b: {  	s6 =	simm.s32 $_scs_section_size  }
0x9c: {  	s7 =	simm.s32 $_size__tile_overlayer_lowered;
	s8 =	simm.s32 $_tile_overlayer_lowered  }
0x9d: {  	s22 =	simm.s32 $0x1BFF;
	s21 =	sshll.u32 s8, $0x1;
	s5 =	sadd.s32 s6, s19  }
0x9e: {  	s9 =	simm.s32 $0x0;
	s20 =	sshll.u32 s7, $0x1;
	s7 =	sadd.s32 s21, s5  }
0x9f: {  	[timem:s9], [sflag:s22] =	dma.local [hbm:s7], s20  }
0xa0: {  	_ =	swait.ge [sflag:s22], s20  }
0xa1: {  	s6 =	ssub.s32 $0x0, s20;
	[sflag:s22] =	ssyncset.done $0x0  }
0xa2: {  	[sflag:s22] =	ssyncadd.s32 s6;
	_ =	sdelay $0x1  }
0xa3: {  	s23 =	simm.s32 $0x1B8B  }
0xa4: {  	_ =	swait.ge [sflag:s23], $0x1  }
0xa5: {  	[sflag:s23] =	ssyncset.done $0x0  }
0xa6: {  	s25 =	simm.s32 $0x1B8E;
	s24 =	sld [smem:$0x3FFE];
	[sflag:s23] =	ssyncadd.s32 $0xFFFFFFFF  }
0xa7: {  	s26 =	simm.s32 $execute0_lowered;
	[smem:$0x3FD2] =	sst s25  }
0xa8: {  	s7 =	sshll.u32 s26, $0x1;
	_ =	strace $0x80000046;
	[dreg:$0x1] =	wrdreg $0xFFFFFFFF  }
0xa9: {  	s28 =	simm.s32 $_size_execute0_lowered;
	s5 =	sadd.s32 s5, s7;
	[dreg:$0x0] =	wrdreg $0x0  }
0xaa: {  	s7 =	sshll.u32 s28, $0x1;
	[dreg:$0x2] =	wrdreg s5  }
0xab: {  	[dreg:$0x3] =	wrdreg s7  }
0xac: {  	[dreg:$0x4] =	wrdreg $0xC0  }
0xad: {  	_ =	task [dreg:s9], $0x5FFFF  }
0xae: {  	[dreg:$0x1] =	wrdreg $0xFFFFFFFF  }
0xaf: {  	[dreg:$0x0] =	wrdreg $0x60  }
0xb0: {  	[dreg:$0x2] =	wrdreg s2  }
0xb1: {  	[dreg:$0x3] =	wrdreg s18  }
0xb2: {  	[dreg:$0x4] =	wrdreg s4  }
0xb3: {  	[dreg:$0x5] =	wrdreg s24  }
0xb4: {  	[dreg:$0x6] =	wrdreg $0x9  }
0xb5: {  	_ =	task.clear_ibuf [dreg:s9], $0x7FFFF;
	_ =	strace $0x90000046  }
0xb6: {  	s29 =	simm.s32 $0x9;
	_ =	strace $0x80000048  }
0xb7: {  	_ =	swait.ge [sflag:s29], $0x1  }
0xb8: {  	[sflag:s29] =	ssyncadd.s32 $0xFFFFFFFF  }
0xb9: {  	_ =	strace $0x90000048  }
0xba: {  	_ =	sfence  }
0xbb: {  	s30 =	sld [smem:$0x0];
	_ =	sdelay $0x2  }
0xbc: {  	s31 =	sshll.u32 s1, $0xD;
	s1 =	sshrl.u32 s1, $0x2  }
0xbd: {  	s3 =	sand.u32 $0x4000, s31;
	s1 =	sadd.s32 s1, s30  }
0xbe: {  	s0 =	sor.u32 s3, s0;
	s1 =	sshll.u32 s1, $0x11  }
0xbf: {  	s0 =	sor.u32 s1, s0  }
0xc0: {  	s0 =	sadd.s32 $0x8F2B, s0  }
0xc1: {  	[sflag:s0] =	ssyncadd.remote.s32 $0x1  }
0xc2: {  	_ =	sfence.sel $0xFFFF  }
0xc3: {  	[dreg:$0x0] =	wrdreg $0xFFFFFFFF;
	(pc) =	sbr.abs _section_cstart, $3  }
0xc4: {  	[dreg:$0x1] =	wrdreg $0xFFFFFFFF  }
0xc5: {  	_ =	task.clear_ibuf [dreg:s9], $0x2FFFF;
	_ =	strace $0x9FFFFFFF  }
0xc6: {  	(tm) =	ssettm $0x7FFFFFFF  }
0xc7: {  	_ =	shalt  }
tec
execute0_lowered:
.L_overlay_start_1:
0x0: {  	(tag) =	ssettag $0x1  }
0x1: {  	s0 =	rddreg [dreg:$0x0]  }
0x2: {  	s1 =	rddreg [dreg:$0x1]  }
0x3: {  	s2 =	srdreg.scid;
	s6 =	rddreg [dreg:$0x2]  }
0x4: {  	s8 =	stileid.u32;
	s3 =	rddreg [dreg:$0x3]  }
0x5: {  	s7 =	simm.s32 $0x1;
	s12 =	simm.s32 $0xFFFFFFFF;
	s21 =	simm.s32 $0x3  }
0x6: {  	s22 =	simm.s32 $0x4;
	s28 =	simm.s32 $0x0;
	s11 =	sand.u32 $0x1, s2  }
0x7: {  	v0 =	vimm.s32 $0x2380;
	vm0 =	vcmask $0x300;
	s4 =	sshll.u32 s8, $0x7;
	s2 =	simm.s32 $0x0;
	s5 =	sshll.u32 s11, $0x6  }
0x8: {  	vm14 =	vcmask $0x704;
	v0 =	vsel vm0, $0x0, v0;
	[smem:$0x7FF] =	sst s2;
	p1 =	seq.s32 s11, $0x1;
	s24 =	ssub.s32 $0x2, s11  }
0x9: {  	vm15 =	vcmask $0xB08;
	v0 =	vsel vm14, $0x80, v0;
	s29 =	sshll.u32 s11, $0x8;
	s4 =	sor.u32 s5, s4;
	_ =	strace $0x80000047  }
0xa: {  	vm4 =	vcmask $0xF0C;
	s25 =	sshrl.u32 s24, $0x1;
	v0 =	vsel vm15, $0x100, v0;
	p0 =	seq.s32 s4, $0x0;
	s5 =	sshll.u32 s4, $0x4  }
0xb: {  	vm5 =	vcmask $0x1310;
	s14 =	ssub.s32 s24, s25;
	v0 =	vsel vm4, $0x180, v0;
	s4 =	sshll.u32 s4, $0x7;
	p0 =	por !p0, !p1  }
0xc: {  	vm6 =	vcmask $0x1714;
	s25 =	simm.s32 $0x2;
	s13 =	sadd.s32 s5, s3;
	v0 =	vsel vm5, $0x200, v0;
	p0 =	por !p0, !p0  }
0xd: {  	vm7 =	vcmask $0x1B18;
	s3 =	simm.s32 $0x1;
	v0 =	vsel vm6, $0x280, v0;
	s7 =	simm.s32 @!p0 $0x0;
	s12 =	simm.s32 @!p0 $0x0  }
0xe: {  	vm8 =	vcmask $0x1F1C;
	s4 =	sadd.s32 s0, s4;
	v0 =	vsel vm7, $0x300, v0;
	s7 =	ssub.s32 s8, s7;
	s30 =	sshll.u32 s12, $0x9  }
0xf: {  	vm9 =	vcmask $0x2320;
	s14 =	smax.u32 s14, $0x1;
	v0 =	vsel vm8, $0x380, v0;
	s26 =	sshll.u32 s7, $0x7;
	s0 =	ssub.s32 s29, s30  }
0x10: {  	vm10 =	vcmask $0x2724;
	s9 =	sadd.s32 $0x800, s4;
	v0 =	vsel vm9, $0x2000, v0;
	s7 =	sand.u32 $0x1FFFFF80, s26;
	s15 =	sor.u32 $0x40, s0  }
0x11: {  	vm11 =	vcmask $0x2B28;
	v0 =	vsel vm10, $0x2080, v0;
	s18 =	sor.u32 $0x80, s0;
	s5 =	sadd.s32 s1, s7;
	s1 =	sshra.s32 s0, $0x2  }
0x12: {  	vm12 =	vcmask $0x2F2C;
	s15 =	sshra.s32 s15, $0x2;
	v0 =	vsel vm11, $0x2100, v0;
	s31 =	sshra.s32 s18, $0x2;
	s0 =	sor.u32 $0xC0, s0  }
0x13: {  	vm13 =	vcmask $0x3330;
	v5 =	vlaneseq.u32;
	s16 =	sadd.s32 $0x8000, s1;
	s1 =	sadd.s32 $0x8C00, s1;
	s17 =	sadd.s32 $0x8000, s15;
	v0 =	vsel vm12, $0x2180, v0  }
0x14: {  	v5 =	vmul.u32 $0x80, v5;
	vm14 =	vcmask $0x3734;
	s19 =	sadd.s32 $0x8C00, s15;
	s18 =	sadd.s32 $0x8000, s31;
	s0 =	sshra.s32 s0, $0x2;
	v0 =	vsel vm13, $0x2200, v0  }
0x15: {  	s23 =	sadd.s32 $0x8C00, s31;
	s24 =	sadd.s32 $0x8000, s0;
	s0 =	sadd.s32 $0x8C00, s0;
	v1 =	vmov s1;
	v2 =	vmov s17;
	v3 =	vmov s19  }
0x16: {  	s10 =	sadd.s32 $0x1000, s4;
	s11 =	sadd.s32 $0x1800, s4;
	s12 =	sadd.s32 $0x1000, s13;
	v6 =	vmov s18;
	v7 =	vmov s23;
	v9 =	vmov s0  }
0x17: {  	s13 =	sadd.s32 $0x9000, s13;
	s26 =	simm.s32 $0x5;
	s6 =	sadd.s32 s6, s7;
	v4 =	vsel vm14, $0x2280, v0;
	v0 =	vmov s16;
	v8 =	vmov s24  }
0x18: {  	vm15 =	vcmask $0x3B38;
	v10 =	vor.u32 $0x800, v5;
	s7 =	sadd.s32 $0x1000, s5;
	s8 =	sadd.s32 $0x1000, s6;
	s15 =	simm.s32 $0x400  }
0x19: {  	v11 =	vor.u32 $0x1000, v5;
	v12 =	vor.u32 $0x1800, v5;
	s23 =	simm.s32 $0x9800;
	s16 =	simm.s32 $0x4000;
	s24 =	simm.s32 $0xB800;
	v4 =	vsel vm15, $0x2300, v4  }
.LBB2_1:
0x1a: {  	[tilespmem:s2], [sflag:$0x1] =	stream.linear.gather [hbm4b:s4+s2], $0x4000, $0x38;
	[tilespmem:$0xD800] =	vst v63  }
0x1b: {  	s0 =	simm.s32 $0x8000  }
0x1c: {  	[tilespmem:s0], [sflag:$0x3] =	stream.strided.gather [hbm4b:s5+s15], $0x800, s16, s15, $0x38;
	[tilespmem:$0xD800] =	vst v63  }
0x1d: {  	s18 =	simm.s32 $0x8800  }
0x1e: {  	[tilespmem:s18], [sflag:$0x3] =	stream.linear.gather [hbm4b:s7+s2], $0x200, $0x38;
	[tilespmem:$0xD800] =	vst v63  }
0x1f: {  	s19 =	simm.s32 $0x8C00  }
0x20: {  	[tilespmem:s19], [sflag:$0x4] =	stream.strided.gather [hbm4b:s6+s15], $0x800, s16, s15, $0x38;
	[tilespmem:$0xD800] =	vst v63  }
0x21: {  	s20 =	simm.s32 $0x9400  }
0x22: {  	[tilespmem:s20], [sflag:$0x4] =	stream.linear.gather [hbm4b:s8+s2], $0x200, $0x38;
	[tilespmem:$0xD800] =	vst v63  }
0x23: {  	_ =	swait.ge [sflag:s21], $0xA00  }
0x24: {  	[sflag:s21] =	ssyncset.done $0x0  }
0x25: {  	[sflag:s21] =	ssyncadd.s32 $0xFFFFF600  }
0x26: {  	_ =	swait.ge [sflag:s22], $0xA00  }
0x27: {  	[sflag:s22] =	ssyncset.done $0x0  }
0x28: {  	[sflag:s22] =	ssyncadd.s32 $0xFFFFF600  }
0x29: {  	[tilespmem:s16], [sflag:$0x2] =	stream.linear.gather [hbm4b:s9+s2], $0x4000, $0x38;
	[tilespmem:$0xD800] =	vst v63  }
0x2a: {  	_ =	swait.ge [sflag:s3], $0x4000  }
0x2b: {  	[sflag:s3] =	ssyncset.done $0x0  }
0x2c: {  	s19 =	simm.s32 $0x0;
	[sflag:s3] =	ssyncadd.s32 $0xFFFFC000  }
0x2d: {  	v13 =	vld.idx.msk [tilespmem:v0+s19+$0x0 ss:$0x1], $0xffff;
	_ =	sdelay $0x4  }
0x2e: {  	v14 =	vshll.u32 v13, $0x3  }
0x2f: {  	s30 =	simm.s32 $0x80;
	v13 =	vand.u32 $0x7F, v13;
	v14 =	vand.u32 $0xFFFFFC00, v14  }
0x30: {  	v13 =	vor.u32 v13, v14;
	v14 =	vld.idx.msk [tilespmem:v0+s30+$0x0 ss:$0x1], $0xffff  }
0x31: {  	v13 =	vadd.s32 v4, v13;
	_ =	sdelay $0x1  }
0x32: {  	s29 =	simm.s32 $0x100  }
0x33: {  	v15 =	vld.idx.msk [tilespmem:v0+s29+$0x0 ss:$0x1], $0xffff  }
0x34: {  	v16 =	vshll.u32 v14, $0x3  }
0x35: {  	v14 =	vand.u32 $0x7F, v14;
	v13 =	vld.idx.msk [tilespmem:v13+s2+$0x0], $0xffff;
	v16 =	vand.u32 $0xFFFFFC00, v16  }
0x36: {  	v14 =	vor.u32 v14, v16  }
0x37: {  	v14 =	vadd.s32 v4, v14  }
0x38: {  	v16 =	vshll.u32 v15, $0x3  }
0x39: {  	s0 =	simm.s32 $0x180;
	v15 =	vand.u32 $0x7F, v15;
	v16 =	vand.u32 $0xFFFFFC00, v16  }
0x3a: {  	v17 =	vld.idx.msk [tilespmem:v0+s0+$0x0 ss:$0x1], $0xffff;
	v15 =	vor.u32 v15, v16;
	v16 =	vsub.f32 $0.0e+00, v13  }
0x3b: {  	v15 =	vadd.s32 v4, v15  }
0x3c: {  	v16 =	vmul.f32 $1.442695020e+00, v16;
	v14 =	vld.idx.msk [tilespmem:v14+s2+$0x0], $0xffff  }
0x3d: {  	s31 =	simm.s32 $0x200  }
0x3e: {  	(erf) = vpow2.f32 v16;
	v16 =	vld.idx.msk [tilespmem:v0+s31+$0x0 ss:$0x1], $0xffff  }
0x3f: {  	v18 =	vshll.u32 v17, $0x3  }
0x40: {  	v17 =	vand.u32 $0x7F, v17;
	v18 =	vand.u32 $0xFFFFFC00, v18;
	v15 =	vld.idx.msk [tilespmem:v15+s2+$0x0], $0xffff  }
0x41: {  	v17 =	vor.u32 v17, v18;
	v18 =	vsub.f32 $0.0e+00, v14  }
0x42: {  	v17 =	vadd.s32 v4, v17  }
0x43: {  	v18 =	vmul.f32 $1.442695020e+00, v18;
	v19 =	vshll.u32 v16, $0x3  }
0x44: {  	s1 =	simm.s32 $0x280;
	v19 =	vand.u32 $0xFFFFFC00, v19  }
0x45: {  	v21 =	vld.idx.msk [tilespmem:v0+s1+$0x0 ss:$0x1], $0xffff;
	v16 =	vand.u32 $0x7F, v16;
	v20 =	vsub.f32 $0.0e+00, v15;
	(erf) = vpow2.f32 v18  }
0x46: {  	v16 =	vor.u32 v16, v19  }
0x47: {  	v20 =	vmul.f32 $1.442695020e+00, v20;
	v18 =	vadd.s32 v4, v16;
	v16 =	vld.idx.msk [tilespmem:v17+s2+$0x0], $0xffff;
	v19 =	vpop (erf)  }
0x48: {  	v17 =	vadd.f32 $1.000000000e+00, v19  }
0x49: {  	s17 =	simm.s32 $0x300;
	(erf) = vpow2.f32 v20  }
0x4a: {  	v19 =	vld.idx.msk [tilespmem:v0+s17+$0x0 ss:$0x1], $0xffff;
	(erf) = vrcp.f32 v17;
	v17 =	vshll.u32 v21, $0x3  }
0x4b: {  	v20 =	vand.u32 $0x7F, v21;
	v21 =	vand.u32 $0xFFFFFC00, v17  }
0x4c: {  	v17 =	vld.idx.msk [tilespmem:v18+s2+$0x0], $0xffff;
	v18 =	vor.u32 v20, v21;
	v20 =	vsub.f32 $0.0e+00, v16;
	_ =	sdelay $0x1  }
0x4d: {  	v18 =	vadd.s32 v4, v18;
	v22 =	vpop (erf);
	v20 =	vmul.f32 $1.442695020e+00, v20  }
0x4e: {  	v23 =	vshll.u32 v19, $0x3;
	v22 =	vadd.f32 $1.000000000e+00, v22  }
0x4f: {  	s18 =	simm.s32 $0x380;
	v24 =	vand.u32 $0x7F, v19;
	v19 =	vld.idx.msk [tilespmem:v1+s19+$0x0 ss:$0x1], $0xffff;
	v25 =	vand.u32 $0xFFFFFC00, v23;
	(erf) = vpow2.f32 v20  }
0x50: {  	v23 =	vld.idx.msk [tilespmem:v0+s18+$0x0 ss:$0x1], $0xffff;
	v26 =	vsub.f32 $0.0e+00, v17;
	(erf) = vrcp.f32 v22  }
0x51: {  	v21 =	vimm.f32 $-1.000000000e+00;
	v20 =	vimm.f32 $0.0e+00;
	v27 =	vpop (erf);
	v22 =	vor.u32 v24, v25  }
0x52: {  	s19 =	simm.s32 $0x1000;
	v18 =	vld.idx.msk [tilespmem:v18+s2+$0x0], $0xffff;
	v24 =	vadd.s32 v4, v22;
	v26 =	vmul.f32 $1.442695020e+00, v26;
	v22 =	vimm.f32 $0.0e+00;
	v25 =	vpop (erf)  }
.LBB2_2:
0x53: {  	s20 =	sshra.s32 s19, $0x2  }
0x54: {  	v27 =	vadd.f32 $1.000000000e+00, v27;
	v25 =	vmul.f32 v25, v19;
	v28 =	vmovc v19;
	v19 =	vld.idx.msk [tilespmem:v1+s30+$0x0 ss:$0x1], $0xffff;
	v29 =	vmovc v15;
	v15 =	vmov v16;
	s30 =	smov.u32 s29;
	s29 =	smov.u32 s0;
	p0 =	sne.s32 s19, $0x2600  }
.Ltmp0:
0x55: {  	s19 =	sadd.s32 $0x200, s19;
	v30 =	vand.u32 $0x7F, v23;
	v31 =	vshll.u32 v23, $0x3;
	v16 =	vmovc v17;
	v23 =	vld.idx.msk [tilespmem:v0+s20+$0x0 ss:$0x1], $0xffff;
	(erf) = vpow2.f32 v26;
	(pc) =	sbr.rel @p0 .LBB2_2-.Ltmp0, $4  }
0x56: {  	s0 =	smov.u32 s31;
	s31 =	smov.u32 s1;
	s1 =	smov.u32 s17;
	v31 =	vand.u32 $0xFFFFFC00, v31;
	(erf) = vrcp.f32 v27;
	vm0 =	vgt.f32 v25, v21  }
0x57: {  	s17 =	smov.u32 s18;
	s18 =	smov.u32 s20;
	v26 =	vor.u32 v30, v31;
	v30 =	vsub.f32 $0.0e+00, v18;
	v17 =	vmovc v18;
	v21 =	vsel vm0, v25, v21;
	v18 =	vld.idx.msk [tilespmem:v24+s2+$0x0], $0xffff  }
0x58: {  	v24 =	vadd.s32 v4, v26;
	v20 =	vsel vm0, v13, v20;
	v22 =	vsel vm0, v28, v22;
	v27 =	vpop (erf)  }
0x59: {  	v13 =	vmov v14;
	v14 =	vmov v29;
	v26 =	vmul.f32 $1.442695020e+00, v30;
	v25 =	vpop (erf)  }
0x5a: {  	v28 =	vshll.u32 v23, $0x3  }
0x5b: {  	v23 =	vand.u32 $0x7F, v23;
	v28 =	vand.u32 $0xFFFFFC00, v28  }
0x5c: {  	v23 =	vor.u32 v23, v28  }
0x5d: {  	v23 =	vadd.s32 v4, v23  }
0x5e: {  	(erf) = vpow2.f32 v26;
	_ =	sdelay $0x1  }
0x5f: {  	v24 =	vld.idx.msk [tilespmem:v24+s2+$0x0], $0xffff  }
0x60: {  	v27 =	vadd.f32 $1.000000000e+00, v27;
	v26 =	vsub.f32 $0.0e+00, v18  }
0x61: {  	v28 =	vpop (erf);
	v23 =	vld.idx.msk [tilespmem:v23+s2+$0x0], $0xffff  }
0x62: {  	v26 =	vmul.f32 $1.442695020e+00, v26;
	(erf) = vrcp.f32 v27;
	v27 =	vadd.f32 $1.000000000e+00, v28;
	_ =	sdelay $0x1  }
0x63: {  	v29 =	vsub.f32 $0.0e+00, v24;
	v28 =	vpop (erf);
	(erf) = vpow2.f32 v26;
	_ =	sdelay $0x1  }
0x64: {  	v26 =	vmul.f32 $1.442695020e+00, v29;
	(erf) = vrcp.f32 v27;
	v27 =	vpop (erf);
	v29 =	vsub.f32 $0.0e+00, v23  }
0x65: {  	v27 =	vadd.f32 $1.000000000e+00, v27  }
0x66: {  	(erf) = vpow2.f32 v26;
	v26 =	vmul.f32 $1.442695020e+00, v29  }
0x67: {  	(erf) = vrcp.f32 v27  }
0x68: {  	(erf) = vpow2.f32 v26;
	_ =	sdelay $0x1  }
0x69: {  	v26 =	vpop (erf)  }
0x6a: {  	v27 =	vpop (erf)  }
0x6b: {  	v29 =	vld.idx.msk [tilespmem:v1+s30+$0x0 ss:$0x1], $0xffff;
	v27 =	vadd.f32 $1.000000000e+00, v27;
	_ =	sdelay $0x1  }
0x6c: {  	v32 =	vld.idx.msk [tilespmem:v1+s29+$0x0 ss:$0x1], $0xffff;
	v30 =	vpop (erf)  }
0x6d: {  	v25 =	vmul.f32 v25, v19;
	v31 =	vpop (erf)  }
0x6e: {  	v33 =	vld.idx.msk [tilespmem:v1+s0+$0x0 ss:$0x1], $0xffff;
	v31 =	vadd.f32 $1.000000000e+00, v31;
	(erf) = vrcp.f32 v27;
	v27 =	vpop (erf)  }
0x6f: {  	vm0 =	vgt.f32 v25, v21;
	v28 =	vmul.f32 v28, v29;
	v63 =	vpop (erf)  }
0x70: {  	v21 =	vsel vm0, v25, v21;
	v25 =	vld.idx.msk [tilespmem:v1+s31+$0x0 ss:$0x1], $0xffff;
	(erf) = vrcp.f32 v31;
	v31 =	vadd.f32 $1.000000000e+00, v63  }
0x71: {  	v26 =	vmul.f32 v26, v32;
	vm1 =	vgt.f32 v28, v21  }
0x72: {  	v21 =	vsel vm1, v28, v21;
	(erf) = vrcp.f32 v31  }
0x73: {  	v30 =	vmul.f32 v30, v33;
	v28 =	vld.idx.msk [tilespmem:v1+s1+$0x0 ss:$0x1], $0xffff;
	vm2 =	vgt.f32 v26, v21  }
0x74: {  	v21 =	vsel vm2, v26, v21  }
0x75: {  	v26 =	vld.idx.msk [tilespmem:v1+s17+$0x0 ss:$0x1], $0xffff;
	vm3 =	vgt.f32 v30, v21;
	v27 =	vmul.f32 v27, v25  }
0x76: {  	v13 =	vsel vm0, v13, v20;
	v20 =	vsel vm3, v30, v21  }
0x77: {  	v19 =	vsel vm0, v19, v22;
	v22 =	vld.idx.msk [tilespmem:v1+s18+$0x0 ss:$0x1], $0xffff;
	v13 =	vsel vm1, v14, v13;
	vm12 =	vgt.f32 v27, v20;
	v21 =	vpop (erf)  }
0x78: {  	v13 =	vsel vm2, v15, v13;
	v15 =	vsel vm12, v27, v20;
	v14 =	vmul.f32 v21, v28  }
0x79: {  	v19 =	vsel vm1, v29, v19;
	v20 =	vpop (erf)  }
0x7a: {  	v19 =	vsel vm2, v32, v19;
	vm13 =	vgt.f32 v14, v15;
	v20 =	vmul.f32 v20, v26  }
0x7b: {  	v13 =	vsel vm3, v16, v13;
	v16 =	vsel vm3, v33, v19;
	v14 =	vsel vm13, v14, v15;
	v15 =	vpop (erf)  }
0x7c: {  	v13 =	vsel vm12, v17, v13;
	vm14 =	vgt.f32 v20, v14;
	v15 =	vmul.f32 v15, v22  }
0x7d: {  	v16 =	vsel vm12, v25, v16;
	v13 =	vsel vm13, v18, v13;
	v14 =	vsel vm14, v20, v14  }
0x7e: {  	v16 =	vsel vm13, v28, v16;
	v13 =	vsel vm14, v24, v13;
	vm15 =	vgt.f32 v15, v14  }
0x7f: {  	v14 =	vsel vm14, v26, v16;
	v13 =	vsel vm15, v23, v13  }
0x80: {  	v14 =	vsel vm15, v22, v14;
	[tilespmem:v5+s23+$0x0] =	vst.idx.msk $0xffff, v13  }
0x81: {  	s20 =	simm.s32 $0x0;
	[tilespmem:v5+s24+$0x0] =	vst.idx.msk $0xffff, v14  }
0x82: {  	[tilespmem:s20], [sflag:$0x1] =	stream.linear.gather [hbm4b:s10+s20], $0x4000, $0x38;
	[tilespmem:$0xD800] =	vst v63  }
0x83: {  	_ =	swait.ge [sflag:s25], $0x4000  }
0x84: {  	[sflag:s25] =	ssyncset.done $0x0  }
0x85: {  	s19 =	simm.s32 $0x0;
	[sflag:s25] =	ssyncadd.s32 $0xFFFFC000  }
0x86: {  	v13 =	vld.idx.msk [tilespmem:v2+s19+$0x0 ss:$0x1], $0xffff;
	_ =	sdelay $0x4  }
0x87: {  	v14 =	vshll.u32 v13, $0x3  }
0x88: {  	s30 =	simm.s32 $0x80;
	v13 =	vand.u32 $0x7F, v13;
	v14 =	vand.u32 $0xFFFFFC00, v14  }
0x89: {  	v13 =	vor.u32 v13, v14;
	v14 =	vld.idx.msk [tilespmem:v2+s30+$0x0 ss:$0x1], $0xffff  }
0x8a: {  	v13 =	vadd.s32 v4, v13;
	_ =	sdelay $0x1  }
0x8b: {  	s29 =	simm.s32 $0x100  }
0x8c: {  	v15 =	vld.idx.msk [tilespmem:v2+s29+$0x0 ss:$0x1], $0xffff  }
0x8d: {  	v16 =	vshll.u32 v14, $0x3  }
0x8e: {  	v14 =	vand.u32 $0x7F, v14;
	v13 =	vld.idx.msk [tilespmem:v13+s16+$0x0], $0xffff;
	v16 =	vand.u32 $0xFFFFFC00, v16  }
0x8f: {  	v14 =	vor.u32 v14, v16  }
0x90: {  	v14 =	vadd.s32 v4, v14  }
0x91: {  	v16 =	vshll.u32 v15, $0x3  }
0x92: {  	s0 =	simm.s32 $0x180;
	v15 =	vand.u32 $0x7F, v15;
	v16 =	vand.u32 $0xFFFFFC00, v16  }
0x93: {  	v17 =	vld.idx.msk [tilespmem:v2+s0+$0x0 ss:$0x1], $0xffff;
	v15 =	vor.u32 v15, v16;
	v16 =	vsub.f32 $0.0e+00, v13  }
0x94: {  	v15 =	vadd.s32 v4, v15  }
0x95: {  	v16 =	vmul.f32 $1.442695020e+00, v16;
	v14 =	vld.idx.msk [tilespmem:v14+s16+$0x0], $0xffff  }
0x96: {  	s31 =	simm.s32 $0x200  }
0x97: {  	(erf) = vpow2.f32 v16;
	v16 =	vld.idx.msk [tilespmem:v2+s31+$0x0 ss:$0x1], $0xffff  }
0x98: {  	v18 =	vshll.u32 v17, $0x3  }
0x99: {  	v17 =	vand.u32 $0x7F, v17;
	v18 =	vand.u32 $0xFFFFFC00, v18;
	v15 =	vld.idx.msk [tilespmem:v15+s16+$0x0], $0xffff  }
0x9a: {  	v17 =	vor.u32 v17, v18;
	v18 =	vsub.f32 $0.0e+00, v14  }
0x9b: {  	v17 =	vadd.s32 v4, v17  }
0x9c: {  	v18 =	vmul.f32 $1.442695020e+00, v18;
	v19 =	vshll.u32 v16, $0x3  }
0x9d: {  	s1 =	simm.s32 $0x280;
	v19 =	vand.u32 $0xFFFFFC00, v19  }
0x9e: {  	v21 =	vld.idx.msk [tilespmem:v2+s1+$0x0 ss:$0x1], $0xffff;
	v16 =	vand.u32 $0x7F, v16;
	v20 =	vsub.f32 $0.0e+00, v15;
	(erf) = vpow2.f32 v18  }
0x9f: {  	v16 =	vor.u32 v16, v19  }
0xa0: {  	v20 =	vmul.f32 $1.442695020e+00, v20;
	v18 =	vadd.s32 v4, v16;
	v16 =	vld.idx.msk [tilespmem:v17+s16+$0x0], $0xffff;
	v19 =	vpop (erf)  }
0xa1: {  	v17 =	vadd.f32 $1.000000000e+00, v19  }
0xa2: {  	s17 =	simm.s32 $0x300;
	(erf) = vpow2.f32 v20  }
0xa3: {  	v19 =	vld.idx.msk [tilespmem:v2+s17+$0x0 ss:$0x1], $0xffff;
	(erf) = vrcp.f32 v17;
	v17 =	vshll.u32 v21, $0x3  }
0xa4: {  	v20 =	vand.u32 $0x7F, v21;
	v21 =	vand.u32 $0xFFFFFC00, v17  }
0xa5: {  	v17 =	vld.idx.msk [tilespmem:v18+s16+$0x0], $0xffff;
	v18 =	vor.u32 v20, v21;
	v20 =	vsub.f32 $0.0e+00, v16;
	_ =	sdelay $0x1  }
0xa6: {  	v18 =	vadd.s32 v4, v18;
	v22 =	vpop (erf);
	v20 =	vmul.f32 $1.442695020e+00, v20  }
0xa7: {  	v23 =	vshll.u32 v19, $0x3;
	v22 =	vadd.f32 $1.000000000e+00, v22  }
0xa8: {  	s18 =	simm.s32 $0x380;
	v24 =	vand.u32 $0x7F, v19;
	v19 =	vld.idx.msk [tilespmem:v3+s19+$0x0 ss:$0x1], $0xffff;
	v25 =	vand.u32 $0xFFFFFC00, v23;
	(erf) = vpow2.f32 v20  }
0xa9: {  	v23 =	vld.idx.msk [tilespmem:v2+s18+$0x0 ss:$0x1], $0xffff;
	v26 =	vsub.f32 $0.0e+00, v17;
	(erf) = vrcp.f32 v22  }
0xaa: {  	v21 =	vimm.f32 $-1.000000000e+00;
	v20 =	vimm.f32 $0.0e+00;
	v27 =	vpop (erf);
	v22 =	vor.u32 v24, v25  }
0xab: {  	s19 =	simm.s32 $0x1000;
	v18 =	vld.idx.msk [tilespmem:v18+s16+$0x0], $0xffff;
	v24 =	vadd.s32 v4, v22;
	v26 =	vmul.f32 $1.442695020e+00, v26;
	v22 =	vimm.f32 $0.0e+00;
	v25 =	vpop (erf)  }
.LBB2_4:
0xac: {  	s20 =	sshra.s32 s19, $0x2  }
0xad: {  	v27 =	vadd.f32 $1.000000000e+00, v27;
	v25 =	vmul.f32 v25, v19;
	v28 =	vmovc v19;
	v19 =	vld.idx.msk [tilespmem:v3+s30+$0x0 ss:$0x1], $0xffff;
	v29 =	vmovc v15;
	v15 =	vmov v16;
	s30 =	smov.u32 s29;
	s29 =	smov.u32 s0;
	p0 =	sne.s32 s19, $0x2600  }
.Ltmp1:
0xae: {  	s19 =	sadd.s32 $0x200, s19;
	v30 =	vand.u32 $0x7F, v23;
	v31 =	vshll.u32 v23, $0x3;
	v16 =	vmovc v17;
	v23 =	vld.idx.msk [tilespmem:v2+s20+$0x0 ss:$0x1], $0xffff;
	(erf) = vpow2.f32 v26;
	(pc) =	sbr.rel @p0 .LBB2_4-.Ltmp1, $4  }
0xaf: {  	s0 =	smov.u32 s31;
	s31 =	smov.u32 s1;
	s1 =	smov.u32 s17;
	v31 =	vand.u32 $0xFFFFFC00, v31;
	(erf) = vrcp.f32 v27;
	vm0 =	vgt.f32 v25, v21  }
0xb0: {  	s17 =	smov.u32 s18;
	s18 =	smov.u32 s20;
	v26 =	vor.u32 v30, v31;
	v30 =	vsub.f32 $0.0e+00, v18;
	v17 =	vmovc v18;
	v21 =	vsel vm0, v25, v21;
	v18 =	vld.idx.msk [tilespmem:v24+s16+$0x0], $0xffff  }
0xb1: {  	v24 =	vadd.s32 v4, v26;
	v20 =	vsel vm0, v13, v20;
	v22 =	vsel vm0, v28, v22;
	v27 =	vpop (erf)  }
0xb2: {  	v13 =	vmov v14;
	v14 =	vmov v29;
	v26 =	vmul.f32 $1.442695020e+00, v30;
	v25 =	vpop (erf)  }
0xb3: {  	v28 =	vshll.u32 v23, $0x3  }
0xb4: {  	v23 =	vand.u32 $0x7F, v23;
	v28 =	vand.u32 $0xFFFFFC00, v28  }
0xb5: {  	v23 =	vor.u32 v23, v28  }
0xb6: {  	v23 =	vadd.s32 v4, v23  }
0xb7: {  	(erf) = vpow2.f32 v26;
	_ =	sdelay $0x1  }
0xb8: {  	v24 =	vld.idx.msk [tilespmem:v24+s16+$0x0], $0xffff  }
0xb9: {  	v27 =	vadd.f32 $1.000000000e+00, v27;
	v26 =	vsub.f32 $0.0e+00, v18  }
0xba: {  	v28 =	vpop (erf);
	v23 =	vld.idx.msk [tilespmem:v23+s16+$0x0], $0xffff  }
0xbb: {  	v26 =	vmul.f32 $1.442695020e+00, v26;
	(erf) = vrcp.f32 v27;
	v27 =	vadd.f32 $1.000000000e+00, v28;
	_ =	sdelay $0x1  }
0xbc: {  	v29 =	vsub.f32 $0.0e+00, v24;
	v28 =	vpop (erf);
	(erf) = vpow2.f32 v26;
	_ =	sdelay $0x1  }
0xbd: {  	v26 =	vmul.f32 $1.442695020e+00, v29;
	(erf) = vrcp.f32 v27;
	v27 =	vpop (erf);
	v29 =	vsub.f32 $0.0e+00, v23  }
0xbe: {  	v27 =	vadd.f32 $1.000000000e+00, v27  }
0xbf: {  	(erf) = vpow2.f32 v26;
	v26 =	vmul.f32 $1.442695020e+00, v29  }
0xc0: {  	(erf) = vrcp.f32 v27  }
0xc1: {  	(erf) = vpow2.f32 v26;
	_ =	sdelay $0x1  }
0xc2: {  	v26 =	vpop (erf)  }
0xc3: {  	v27 =	vpop (erf)  }
0xc4: {  	v29 =	vld.idx.msk [tilespmem:v3+s30+$0x0 ss:$0x1], $0xffff;
	v27 =	vadd.f32 $1.000000000e+00, v27;
	_ =	sdelay $0x1  }
0xc5: {  	v32 =	vld.idx.msk [tilespmem:v3+s29+$0x0 ss:$0x1], $0xffff;
	v30 =	vpop (erf)  }
0xc6: {  	v25 =	vmul.f32 v25, v19;
	v31 =	vpop (erf)  }
0xc7: {  	v33 =	vld.idx.msk [tilespmem:v3+s0+$0x0 ss:$0x1], $0xffff;
	v31 =	vadd.f32 $1.000000000e+00, v31;
	(erf) = vrcp.f32 v27;
	v27 =	vpop (erf)  }
0xc8: {  	vm0 =	vgt.f32 v25, v21;
	v28 =	vmul.f32 v28, v29;
	v63 =	vpop (erf)  }
0xc9: {  	v21 =	vsel vm0, v25, v21;
	v25 =	vld.idx.msk [tilespmem:v3+s31+$0x0 ss:$0x1], $0xffff;
	(erf) = vrcp.f32 v31;
	v31 =	vadd.f32 $1.000000000e+00, v63  }
0xca: {  	v26 =	vmul.f32 v26, v32;
	vm1 =	vgt.f32 v28, v21  }
0xcb: {  	v21 =	vsel vm1, v28, v21;
	(erf) = vrcp.f32 v31  }
0xcc: {  	v30 =	vmul.f32 v30, v33;
	v28 =	vld.idx.msk [tilespmem:v3+s1+$0x0 ss:$0x1], $0xffff;
	vm2 =	vgt.f32 v26, v21  }
0xcd: {  	v21 =	vsel vm2, v26, v21  }
0xce: {  	v26 =	vld.idx.msk [tilespmem:v3+s17+$0x0 ss:$0x1], $0xffff;
	vm3 =	vgt.f32 v30, v21;
	v27 =	vmul.f32 v27, v25  }
0xcf: {  	v13 =	vsel vm0, v13, v20;
	v20 =	vsel vm3, v30, v21  }
0xd0: {  	v19 =	vsel vm0, v19, v22;
	v22 =	vld.idx.msk [tilespmem:v3+s18+$0x0 ss:$0x1], $0xffff;
	v13 =	vsel vm1, v14, v13;
	vm12 =	vgt.f32 v27, v20;
	v21 =	vpop (erf)  }
0xd1: {  	v13 =	vsel vm2, v15, v13;
	v15 =	vsel vm12, v27, v20;
	v14 =	vmul.f32 v21, v28  }
0xd2: {  	v19 =	vsel vm1, v29, v19;
	v20 =	vpop (erf)  }
0xd3: {  	v19 =	vsel vm2, v32, v19;
	vm13 =	vgt.f32 v14, v15;
	v20 =	vmul.f32 v20, v26  }
0xd4: {  	v13 =	vsel vm3, v16, v13;
	v16 =	vsel vm3, v33, v19;
	v14 =	vsel vm13, v14, v15;
	v15 =	vpop (erf)  }
0xd5: {  	v13 =	vsel vm12, v17, v13;
	vm14 =	vgt.f32 v20, v14;
	v15 =	vmul.f32 v15, v22  }
0xd6: {  	v16 =	vsel vm12, v25, v16;
	v13 =	vsel vm13, v18, v13;
	v14 =	vsel vm14, v20, v14  }
0xd7: {  	v16 =	vsel vm13, v28, v16;
	v13 =	vsel vm14, v24, v13;
	vm15 =	vgt.f32 v15, v14  }
0xd8: {  	v14 =	vsel vm14, v26, v16;
	v13 =	vsel vm15, v23, v13  }
0xd9: {  	v14 =	vsel vm15, v22, v14;
	[tilespmem:v10+s23+$0x0] =	vst.idx.msk $0xffff, v13  }
0xda: {  	s20 =	simm.s32 $0x0;
	[tilespmem:v10+s24+$0x0] =	vst.idx.msk $0xffff, v14  }
0xdb: {  	[tilespmem:s16], [sflag:$0x2] =	stream.linear.gather [hbm4b:s11+s20], $0x4000, $0x38;
	[tilespmem:$0xD800] =	vst v63  }
0xdc: {  	_ =	swait.ge [sflag:s3], $0x4000  }
0xdd: {  	[sflag:s3] =	ssyncset.done $0x0  }
0xde: {  	s19 =	simm.s32 $0x0;
	[sflag:s3] =	ssyncadd.s32 $0xFFFFC000  }
0xdf: {  	v13 =	vld.idx.msk [tilespmem:v6+s19+$0x0 ss:$0x1], $0xffff;
	_ =	sdelay $0x4  }
0xe0: {  	v14 =	vshll.u32 v13, $0x3  }
0xe1: {  	s30 =	simm.s32 $0x80;
	v13 =	vand.u32 $0x7F, v13;
	v14 =	vand.u32 $0xFFFFFC00, v14  }
0xe2: {  	v13 =	vor.u32 v13, v14;
	v14 =	vld.idx.msk [tilespmem:v6+s30+$0x0 ss:$0x1], $0xffff  }
0xe3: {  	v13 =	vadd.s32 v4, v13;
	_ =	sdelay $0x1  }
0xe4: {  	s29 =	simm.s32 $0x100  }
0xe5: {  	v15 =	vld.idx.msk [tilespmem:v6+s29+$0x0 ss:$0x1], $0xffff  }
0xe6: {  	v16 =	vshll.u32 v14, $0x3  }
0xe7: {  	v14 =	vand.u32 $0x7F, v14;
	v13 =	vld.idx.msk [tilespmem:v13+s2+$0x0], $0xffff;
	v16 =	vand.u32 $0xFFFFFC00, v16  }
0xe8: {  	v14 =	vor.u32 v14, v16  }
0xe9: {  	v14 =	vadd.s32 v4, v14  }
0xea: {  	v16 =	vshll.u32 v15, $0x3  }
0xeb: {  	s0 =	simm.s32 $0x180;
	v15 =	vand.u32 $0x7F, v15;
	v16 =	vand.u32 $0xFFFFFC00, v16  }
0xec: {  	v17 =	vld.idx.msk [tilespmem:v6+s0+$0x0 ss:$0x1], $0xffff;
	v15 =	vor.u32 v15, v16;
	v16 =	vsub.f32 $0.0e+00, v13  }
0xed: {  	v15 =	vadd.s32 v4, v15  }
0xee: {  	v16 =	vmul.f32 $1.442695020e+00, v16;
	v14 =	vld.idx.msk [tilespmem:v14+s2+$0x0], $0xffff  }
0xef: {  	s31 =	simm.s32 $0x200  }
0xf0: {  	(erf) = vpow2.f32 v16;
	v16 =	vld.idx.msk [tilespmem:v6+s31+$0x0 ss:$0x1], $0xffff  }
0xf1: {  	v18 =	vshll.u32 v17, $0x3  }
0xf2: {  	v17 =	vand.u32 $0x7F, v17;
	v18 =	vand.u32 $0xFFFFFC00, v18;
	v15 =	vld.idx.msk [tilespmem:v15+s2+$0x0], $0xffff  }
0xf3: {  	v17 =	vor.u32 v17, v18;
	v18 =	vsub.f32 $0.0e+00, v14  }
0xf4: {  	v17 =	vadd.s32 v4, v17  }
0xf5: {  	v18 =	vmul.f32 $1.442695020e+00, v18;
	v19 =	vshll.u32 v16, $0x3  }
0xf6: {  	s1 =	simm.s32 $0x280;
	v19 =	vand.u32 $0xFFFFFC00, v19  }
0xf7: {  	v21 =	vld.idx.msk [tilespmem:v6+s1+$0x0 ss:$0x1], $0xffff;
	v16 =	vand.u32 $0x7F, v16;
	v20 =	vsub.f32 $0.0e+00, v15;
	(erf) = vpow2.f32 v18  }
0xf8: {  	v16 =	vor.u32 v16, v19  }
0xf9: {  	v20 =	vmul.f32 $1.442695020e+00, v20;
	v18 =	vadd.s32 v4, v16;
	v16 =	vld.idx.msk [tilespmem:v17+s2+$0x0], $0xffff;
	v19 =	vpop (erf)  }
0xfa: {  	v17 =	vadd.f32 $1.000000000e+00, v19  }
0xfb: {  	s17 =	simm.s32 $0x300;
	(erf) = vpow2.f32 v20  }
0xfc: {  	v19 =	vld.idx.msk [tilespmem:v6+s17+$0x0 ss:$0x1], $0xffff;
	(erf) = vrcp.f32 v17;
	v17 =	vshll.u32 v21, $0x3  }
0xfd: {  	v20 =	vand.u32 $0x7F, v21;
	v21 =	vand.u32 $0xFFFFFC00, v17  }
0xfe: {  	v17 =	vld.idx.msk [tilespmem:v18+s2+$0x0], $0xffff;
	v18 =	vor.u32 v20, v21;
	v20 =	vsub.f32 $0.0e+00, v16;
	_ =	sdelay $0x1  }
0xff: {  	v18 =	vadd.s32 v4, v18;
	v22 =	vpop (erf);
	v20 =	vmul.f32 $1.442695020e+00, v20  }
0x100: {  	v23 =	vshll.u32 v19, $0x3;
	v22 =	vadd.f32 $1.000000000e+00, v22  }
0x101: {  	s18 =	simm.s32 $0x380;
	v24 =	vand.u32 $0x7F, v19;
	v19 =	vld.idx.msk [tilespmem:v7+s19+$0x0 ss:$0x1], $0xffff;
	v25 =	vand.u32 $0xFFFFFC00, v23;
	(erf) = vpow2.f32 v20  }
0x102: {  	v23 =	vld.idx.msk [tilespmem:v6+s18+$0x0 ss:$0x1], $0xffff;
	v26 =	vsub.f32 $0.0e+00, v17;
	(erf) = vrcp.f32 v22  }
0x103: {  	v21 =	vimm.f32 $-1.000000000e+00;
	v20 =	vimm.f32 $0.0e+00;
	v27 =	vpop (erf);
	v22 =	vor.u32 v24, v25  }
0x104: {  	s19 =	simm.s32 $0x1000;
	v18 =	vld.idx.msk [tilespmem:v18+s2+$0x0], $0xffff;
	v24 =	vadd.s32 v4, v22;
	v26 =	vmul.f32 $1.442695020e+00, v26;
	v22 =	vimm.f32 $0.0e+00;
	v25 =	vpop (erf)  }
.LBB2_6:
0x105: {  	s20 =	sshra.s32 s19, $0x2  }
0x106: {  	v27 =	vadd.f32 $1.000000000e+00, v27;
	v25 =	vmul.f32 v25, v19;
	v28 =	vmovc v19;
	v19 =	vld.idx.msk [tilespmem:v7+s30+$0x0 ss:$0x1], $0xffff;
	v29 =	vmovc v15;
	v15 =	vmov v16;
	s30 =	smov.u32 s29;
	s29 =	smov.u32 s0;
	p0 =	sne.s32 s19, $0x2600  }
.Ltmp2:
0x107: {  	s19 =	sadd.s32 $0x200, s19;
	v30 =	vand.u32 $0x7F, v23;
	v31 =	vshll.u32 v23, $0x3;
	v16 =	vmovc v17;
	v23 =	vld.idx.msk [tilespmem:v6+s20+$0x0 ss:$0x1], $0xffff;
	(erf) = vpow2.f32 v26;
	(pc) =	sbr.rel @p0 .LBB2_6-.Ltmp2, $4  }
0x108: {  	s0 =	smov.u32 s31;
	s31 =	smov.u32 s1;
	s1 =	smov.u32 s17;
	v31 =	vand.u32 $0xFFFFFC00, v31;
	(erf) = vrcp.f32 v27;
	vm0 =	vgt.f32 v25, v21  }
0x109: {  	s17 =	smov.u32 s18;
	s18 =	smov.u32 s20;
	v26 =	vor.u32 v30, v31;
	v30 =	vsub.f32 $0.0e+00, v18;
	v17 =	vmovc v18;
	v21 =	vsel vm0, v25, v21;
	v18 =	vld.idx.msk [tilespmem:v24+s2+$0x0], $0xffff  }
0x10a: {  	v24 =	vadd.s32 v4, v26;
	v20 =	vsel vm0, v13, v20;
	v22 =	vsel vm0, v28, v22;
	v27 =	vpop (erf)  }
0x10b: {  	v13 =	vmov v14;
	v14 =	vmov v29;
	v26 =	vmul.f32 $1.442695020e+00, v30;
	v25 =	vpop (erf)  }
0x10c: {  	v28 =	vshll.u32 v23, $0x3  }
0x10d: {  	v23 =	vand.u32 $0x7F, v23;
	v28 =	vand.u32 $0xFFFFFC00, v28  }
0x10e: {  	v23 =	vor.u32 v23, v28  }
0x10f: {  	v23 =	vadd.s32 v4, v23  }
0x110: {  	(erf) = vpow2.f32 v26;
	_ =	sdelay $0x1  }
0x111: {  	v24 =	vld.idx.msk [tilespmem:v24+s2+$0x0], $0xffff  }
0x112: {  	v27 =	vadd.f32 $1.000000000e+00, v27;
	v26 =	vsub.f32 $0.0e+00, v18  }
0x113: {  	v28 =	vpop (erf);
	v23 =	vld.idx.msk [tilespmem:v23+s2+$0x0], $0xffff  }
0x114: {  	v26 =	vmul.f32 $1.442695020e+00, v26;
	(erf) = vrcp.f32 v27;
	v27 =	vadd.f32 $1.000000000e+00, v28;
	_ =	sdelay $0x1  }
0x115: {  	v29 =	vsub.f32 $0.0e+00, v24;
	v28 =	vpop (erf);
	(erf) = vpow2.f32 v26;
	_ =	sdelay $0x1  }
0x116: {  	v26 =	vmul.f32 $1.442695020e+00, v29;
	(erf) = vrcp.f32 v27;
	v27 =	vpop (erf);
	v29 =	vsub.f32 $0.0e+00, v23  }
0x117: {  	v27 =	vadd.f32 $1.000000000e+00, v27  }
0x118: {  	(erf) = vpow2.f32 v26;
	v26 =	vmul.f32 $1.442695020e+00, v29  }
0x119: {  	(erf) = vrcp.f32 v27  }
0x11a: {  	(erf) = vpow2.f32 v26;
	_ =	sdelay $0x1  }
0x11b: {  	v26 =	vpop (erf)  }
0x11c: {  	v27 =	vpop (erf)  }
0x11d: {  	v29 =	vld.idx.msk [tilespmem:v7+s30+$0x0 ss:$0x1], $0xffff;
	v27 =	vadd.f32 $1.000000000e+00, v27;
	_ =	sdelay $0x1  }
0x11e: {  	v32 =	vld.idx.msk [tilespmem:v7+s29+$0x0 ss:$0x1], $0xffff;
	v30 =	vpop (erf)  }
0x11f: {  	v25 =	vmul.f32 v25, v19;
	v31 =	vpop (erf)  }
0x120: {  	v33 =	vld.idx.msk [tilespmem:v7+s0+$0x0 ss:$0x1], $0xffff;
	v31 =	vadd.f32 $1.000000000e+00, v31;
	(erf) = vrcp.f32 v27;
	v27 =	vpop (erf)  }
0x121: {  	vm0 =	vgt.f32 v25, v21;
	v28 =	vmul.f32 v28, v29;
	v63 =	vpop (erf)  }
0x122: {  	v21 =	vsel vm0, v25, v21;
	v25 =	vld.idx.msk [tilespmem:v7+s31+$0x0 ss:$0x1], $0xffff;
	(erf) = vrcp.f32 v31;
	v31 =	vadd.f32 $1.000000000e+00, v63  }
0x123: {  	v26 =	vmul.f32 v26, v32;
	vm1 =	vgt.f32 v28, v21  }
0x124: {  	v21 =	vsel vm1, v28, v21;
	(erf) = vrcp.f32 v31  }
0x125: {  	v30 =	vmul.f32 v30, v33;
	v28 =	vld.idx.msk [tilespmem:v7+s1+$0x0 ss:$0x1], $0xffff;
	vm2 =	vgt.f32 v26, v21  }
0x126: {  	v21 =	vsel vm2, v26, v21  }
0x127: {  	v26 =	vld.idx.msk [tilespmem:v7+s17+$0x0 ss:$0x1], $0xffff;
	vm3 =	vgt.f32 v30, v21;
	v27 =	vmul.f32 v27, v25  }
0x128: {  	v13 =	vsel vm0, v13, v20;
	v20 =	vsel vm3, v30, v21  }
0x129: {  	v19 =	vsel vm0, v19, v22;
	v22 =	vld.idx.msk [tilespmem:v7+s18+$0x0 ss:$0x1], $0xffff;
	v13 =	vsel vm1, v14, v13;
	vm12 =	vgt.f32 v27, v20;
	v21 =	vpop (erf)  }
0x12a: {  	v13 =	vsel vm2, v15, v13;
	v15 =	vsel vm12, v27, v20;
	v14 =	vmul.f32 v21, v28  }
0x12b: {  	v19 =	vsel vm1, v29, v19;
	v20 =	vpop (erf)  }
0x12c: {  	v19 =	vsel vm2, v32, v19;
	vm13 =	vgt.f32 v14, v15;
	v20 =	vmul.f32 v20, v26  }
0x12d: {  	v13 =	vsel vm3, v16, v13;
	v16 =	vsel vm3, v33, v19;
	v14 =	vsel vm13, v14, v15;
	v15 =	vpop (erf)  }
0x12e: {  	v13 =	vsel vm12, v17, v13;
	vm14 =	vgt.f32 v20, v14;
	v15 =	vmul.f32 v15, v22  }
0x12f: {  	v16 =	vsel vm12, v25, v16;
	v13 =	vsel vm13, v18, v13;
	v14 =	vsel vm14, v20, v14  }
0x130: {  	v16 =	vsel vm13, v28, v16;
	v13 =	vsel vm14, v24, v13;
	vm15 =	vgt.f32 v15, v14  }
0x131: {  	v14 =	vsel vm14, v26, v16;
	v13 =	vsel vm15, v23, v13  }
0x132: {  	v14 =	vsel vm15, v22, v14;
	[tilespmem:v11+s23+$0x0] =	vst.idx.msk $0xffff, v13  }
0x133: {  	[tilespmem:v11+s24+$0x0] =	vst.idx.msk $0xffff, v14  }
0x134: {  	_ =	swait.ge [sflag:s25], $0x4000  }
0x135: {  	[sflag:s25] =	ssyncset.done $0x0  }
0x136: {  	s19 =	simm.s32 $0x0;
	[sflag:s25] =	ssyncadd.s32 $0xFFFFC000  }
0x137: {  	v13 =	vld.idx.msk [tilespmem:v8+s19+$0x0 ss:$0x1], $0xffff;
	_ =	sdelay $0x4  }
0x138: {  	v14 =	vshll.u32 v13, $0x3  }
0x139: {  	s30 =	simm.s32 $0x80;
	v13 =	vand.u32 $0x7F, v13;
	v14 =	vand.u32 $0xFFFFFC00, v14  }
0x13a: {  	v13 =	vor.u32 v13, v14;
	v14 =	vld.idx.msk [tilespmem:v8+s30+$0x0 ss:$0x1], $0xffff  }
0x13b: {  	v13 =	vadd.s32 v4, v13;
	_ =	sdelay $0x1  }
0x13c: {  	s29 =	simm.s32 $0x100  }
0x13d: {  	v15 =	vld.idx.msk [tilespmem:v8+s29+$0x0 ss:$0x1], $0xffff  }
0x13e: {  	v16 =	vshll.u32 v14, $0x3  }
0x13f: {  	v14 =	vand.u32 $0x7F, v14;
	v13 =	vld.idx.msk [tilespmem:v13+s16+$0x0], $0xffff;
	v16 =	vand.u32 $0xFFFFFC00, v16  }
0x140: {  	v14 =	vor.u32 v14, v16  }
0x141: {  	v14 =	vadd.s32 v4, v14  }
0x142: {  	v16 =	vshll.u32 v15, $0x3  }
0x143: {  	s0 =	simm.s32 $0x180;
	v15 =	vand.u32 $0x7F, v15;
	v16 =	vand.u32 $0xFFFFFC00, v16  }
0x144: {  	v17 =	vld.idx.msk [tilespmem:v8+s0+$0x0 ss:$0x1], $0xffff;
	v15 =	vor.u32 v15, v16;
	v16 =	vsub.f32 $0.0e+00, v13  }
0x145: {  	v15 =	vadd.s32 v4, v15  }
0x146: {  	v16 =	vmul.f32 $1.442695020e+00, v16;
	v14 =	vld.idx.msk [tilespmem:v14+s16+$0x0], $0xffff  }
0x147: {  	s31 =	simm.s32 $0x200  }
0x148: {  	(erf) = vpow2.f32 v16;
	v16 =	vld.idx.msk [tilespmem:v8+s31+$0x0 ss:$0x1], $0xffff  }
0x149: {  	v18 =	vshll.u32 v17, $0x3  }
0x14a: {  	v17 =	vand.u32 $0x7F, v17;
	v18 =	vand.u32 $0xFFFFFC00, v18;
	v15 =	vld.idx.msk [tilespmem:v15+s16+$0x0], $0xffff  }
0x14b: {  	v17 =	vor.u32 v17, v18;
	v18 =	vsub.f32 $0.0e+00, v14  }
0x14c: {  	v17 =	vadd.s32 v4, v17  }
0x14d: {  	v18 =	vmul.f32 $1.442695020e+00, v18;
	v19 =	vshll.u32 v16, $0x3  }
0x14e: {  	s1 =	simm.s32 $0x280;
	v19 =	vand.u32 $0xFFFFFC00, v19  }
0x14f: {  	v21 =	vld.idx.msk [tilespmem:v8+s1+$0x0 ss:$0x1], $0xffff;
	v16 =	vand.u32 $0x7F, v16;
	v20 =	vsub.f32 $0.0e+00, v15;
	(erf) = vpow2.f32 v18  }
0x150: {  	v16 =	vor.u32 v16, v19  }
0x151: {  	v20 =	vmul.f32 $1.442695020e+00, v20;
	v18 =	vadd.s32 v4, v16;
	v16 =	vld.idx.msk [tilespmem:v17+s16+$0x0], $0xffff;
	v19 =	vpop (erf)  }
0x152: {  	v17 =	vadd.f32 $1.000000000e+00, v19  }
0x153: {  	s17 =	simm.s32 $0x300;
	(erf) = vpow2.f32 v20  }
0x154: {  	v19 =	vld.idx.msk [tilespmem:v8+s17+$0x0 ss:$0x1], $0xffff;
	(erf) = vrcp.f32 v17;
	v17 =	vshll.u32 v21, $0x3  }
0x155: {  	v20 =	vand.u32 $0x7F, v21;
	v21 =	vand.u32 $0xFFFFFC00, v17  }
0x156: {  	v17 =	vld.idx.msk [tilespmem:v18+s16+$0x0], $0xffff;
	v18 =	vor.u32 v20, v21;
	v20 =	vsub.f32 $0.0e+00, v16;
	_ =	sdelay $0x1  }
0x157: {  	v18 =	vadd.s32 v4, v18;
	v22 =	vpop (erf);
	v20 =	vmul.f32 $1.442695020e+00, v20  }
0x158: {  	v23 =	vshll.u32 v19, $0x3;
	v22 =	vadd.f32 $1.000000000e+00, v22  }
0x159: {  	s18 =	simm.s32 $0x380;
	v24 =	vand.u32 $0x7F, v19;
	v19 =	vld.idx.msk [tilespmem:v9+s19+$0x0 ss:$0x1], $0xffff;
	v25 =	vand.u32 $0xFFFFFC00, v23;
	(erf) = vpow2.f32 v20  }
0x15a: {  	v23 =	vld.idx.msk [tilespmem:v8+s18+$0x0 ss:$0x1], $0xffff;
	v26 =	vsub.f32 $0.0e+00, v17;
	(erf) = vrcp.f32 v22  }
0x15b: {  	v21 =	vimm.f32 $-1.000000000e+00;
	v20 =	vimm.f32 $0.0e+00;
	v27 =	vpop (erf);
	v22 =	vor.u32 v24, v25  }
0x15c: {  	s19 =	simm.s32 $0x1000;
	v18 =	vld.idx.msk [tilespmem:v18+s16+$0x0], $0xffff;
	v24 =	vadd.s32 v4, v22;
	v26 =	vmul.f32 $1.442695020e+00, v26;
	v22 =	vimm.f32 $0.0e+00;
	v25 =	vpop (erf)  }
.LBB2_8:
0x15d: {  	s20 =	sshra.s32 s19, $0x2  }
0x15e: {  	v27 =	vadd.f32 $1.000000000e+00, v27;
	v25 =	vmul.f32 v25, v19;
	v28 =	vmovc v19;
	v19 =	vld.idx.msk [tilespmem:v9+s30+$0x0 ss:$0x1], $0xffff;
	v29 =	vmovc v15;
	v15 =	vmov v16;
	s30 =	smov.u32 s29;
	s29 =	smov.u32 s0;
	p0 =	sne.s32 s19, $0x2600  }
.Ltmp3:
0x15f: {  	s19 =	sadd.s32 $0x200, s19;
	v30 =	vand.u32 $0x7F, v23;
	v31 =	vshll.u32 v23, $0x3;
	v16 =	vmovc v17;
	v23 =	vld.idx.msk [tilespmem:v8+s20+$0x0 ss:$0x1], $0xffff;
	(erf) = vpow2.f32 v26;
	(pc) =	sbr.rel @p0 .LBB2_8-.Ltmp3, $4  }
0x160: {  	s0 =	smov.u32 s31;
	s31 =	smov.u32 s1;
	s1 =	smov.u32 s17;
	v31 =	vand.u32 $0xFFFFFC00, v31;
	(erf) = vrcp.f32 v27;
	vm0 =	vgt.f32 v25, v21  }
0x161: {  	s17 =	smov.u32 s18;
	s18 =	smov.u32 s20;
	v26 =	vor.u32 v30, v31;
	v30 =	vsub.f32 $0.0e+00, v18;
	v17 =	vmovc v18;
	v21 =	vsel vm0, v25, v21;
	v18 =	vld.idx.msk [tilespmem:v24+s16+$0x0], $0xffff  }
0x162: {  	v24 =	vadd.s32 v4, v26;
	v20 =	vsel vm0, v13, v20;
	v22 =	vsel vm0, v28, v22;
	v27 =	vpop (erf)  }
0x163: {  	v13 =	vmov v14;
	v14 =	vmov v29;
	v26 =	vmul.f32 $1.442695020e+00, v30;
	v25 =	vpop (erf)  }
0x164: {  	v28 =	vshll.u32 v23, $0x3  }
0x165: {  	v41 =	vand.u32 $0x7F, v23;
	v28 =	vand.u32 $0xFFFFFC00, v28  }
0x166: {  	v23 =	vor.u32 v41, v28  }
0x167: {  	v23 =	vadd.s32 v4, v23  }
0x168: {  	(erf) = vpow2.f32 v26;
	_ =	sdelay $0x1  }
0x169: {  	v24 =	vld.idx.msk [tilespmem:v24+s16+$0x0], $0xffff;
	_ =	sdelay $0x1  }
0x16a: {  	v23 =	vld.idx.msk [tilespmem:v23+s16+$0x0], $0xffff  }
0x16b: {  	v42 =	vsub.f32 $0.0e+00, v18  }
0x16c: {  	v27 =	vadd.f32 $1.000000000e+00, v27  }
0x16d: {  	v43 =	vpop (erf);
	v26 =	vmul.f32 $1.442695020e+00, v42;
	v29 =	vsub.f32 $0.0e+00, v24  }
0x16e: {  	(erf) = vrcp.f32 v27;
	v44 =	vadd.f32 $1.000000000e+00, v43;
	v45 =	vpop (erf)  }
0x16f: {  	(erf) = vpow2.f32 v26;
	v46 =	vmul.f32 $1.442695020e+00, v29;
	v47 =	vpop (erf);
	v48 =	vsub.f32 $0.0e+00, v23  }
0x170: {  	(erf) = vrcp.f32 v44;
	v27 =	vadd.f32 $1.000000000e+00, v47  }
0x171: {  	(erf) = vpow2.f32 v46;
	v49 =	vmul.f32 $1.442695020e+00, v48  }
0x172: {  	(erf) = vrcp.f32 v27  }
0x173: {  	(erf) = vpow2.f32 v49;
	_ =	sdelay $0x3  }
0x174: {  	v52 =	vld.idx.msk [tilespmem:v9+s30+$0x0 ss:$0x1], $0xffff;
	v50 =	vpop (erf)  }
0x175: {  	v51 =	vpop (erf)  }
0x176: {  	v32 =	vld.idx.msk [tilespmem:v9+s29+$0x0 ss:$0x1], $0xffff;
	v30 =	vpop (erf);
	v27 =	vadd.f32 $1.000000000e+00, v51  }
0x177: {  	v25 =	vmul.f32 v25, v19;
	v31 =	vpop (erf)  }
0x178: {  	v33 =	vld.idx.msk [tilespmem:v9+s0+$0x0 ss:$0x1], $0xffff;
	(erf) = vrcp.f32 v27;
	v31 =	vadd.f32 $1.000000000e+00, v31;
	v53 =	vpop (erf)  }
0x179: {  	vm0 =	vgt.f32 v25, v21;
	v28 =	vmul.f32 v45, v52;
	v54 =	vpop (erf)  }
0x17a: {  	v55 =	vld.idx.msk [tilespmem:v9+s31+$0x0 ss:$0x1], $0xffff;
	v21 =	vsel vm0, v25, v21;
	(erf) = vrcp.f32 v31;
	v31 =	vadd.f32 $1.000000000e+00, v54  }
0x17b: {  	vm1 =	vgt.f32 v28, v21;
	v26 =	vmul.f32 v50, v32  }
0x17c: {  	v21 =	vsel vm1, v28, v21;
	(erf) = vrcp.f32 v31  }
0x17d: {  	v56 =	vld.idx.msk [tilespmem:v9+s1+$0x0 ss:$0x1], $0xffff;
	vm2 =	vgt.f32 v26, v21;
	v30 =	vmul.f32 v30, v33  }
0x17e: {  	v21 =	vsel vm2, v26, v21  }
0x17f: {  	v57 =	vld.idx.msk [tilespmem:v9+s17+$0x0 ss:$0x1], $0xffff;
	vm3 =	vgt.f32 v30, v21;
	v27 =	vmul.f32 v53, v55  }
0x180: {  	v13 =	vsel vm0, v13, v20;
	v59 =	vsel vm3, v30, v21  }
0x181: {  	v61 =	vld.idx.msk [tilespmem:v9+s18+$0x0 ss:$0x1], $0xffff;
	v58 =	vsel vm0, v19, v22;
	v13 =	vsel vm1, v14, v13;
	vm12 =	vgt.f32 v27, v59;
	v60 =	vpop (erf)  }
0x182: {  	v13 =	vsel vm2, v15, v13;
	v15 =	vsel vm12, v27, v59;
	v14 =	vmul.f32 v60, v56  }
0x183: {  	v19 =	vsel vm1, v52, v58;
	v62 =	vpop (erf)  }
0x184: {  	v19 =	vsel vm2, v32, v19;
	vm13 =	vgt.f32 v14, v15;
	v20 =	vmul.f32 v62, v57  }
0x185: {  	v13 =	vsel vm3, v16, v13;
	v63 =	vsel vm3, v33, v19;
	v14 =	vsel vm13, v14, v15;
	v15 =	vpop (erf)  }
0x186: {  	v13 =	vsel vm12, v17, v13;
	vm14 =	vgt.f32 v20, v14;
	v15 =	vmul.f32 v15, v61  }
0x187: {  	v16 =	vsel vm12, v55, v63;
	v13 =	vsel vm13, v18, v13;
	v14 =	vsel vm14, v20, v14  }
0x188: {  	v16 =	vsel vm13, v56, v16;
	v13 =	vsel vm14, v24, v13;
	vm15 =	vgt.f32 v15, v14  }
0x189: {  	v14 =	vsel vm14, v57, v16;
	v13 =	vsel vm15, v23, v13  }
0x18a: {  	v14 =	vsel vm15, v61, v14;
	[tilespmem:v12+s23+$0x0] =	vst.idx.msk $0xffff, v13  }
0x18b: {  	[tilespmem:v12+s24+$0x0] =	vst.idx.msk $0xffff, v14  }
0x18c: {  	[hbm4b:s12+s2] =	stream.linear.scatter [tilespmem:s23], [sflag:$0x5], $0x2000, $0x38;
	[tilespmem:$0xD800] =	vst v63  }
0x18d: {  	s28 =	sadd.s32 $0x1, s28;
	_ =	swait.ge [sflag:s26], $0x2000  }
0x18e: {  	p0 =	sne.s32 s28, s14;
	[sflag:s26] =	ssyncset.done $0x0  }
.Ltmp4:
0x18f: {  	[sflag:s26] =	ssyncadd.s32 $0xFFFFE000;
	(pc) =	sbr.rel @p0 .LBB2_1-.Ltmp4, $4  }
0x190: {  	[hbm4b:s13+s2] =	stream.linear.scatter [tilespmem:s24], [sflag:$0x5], $0x2000, $0x38;
	[tilespmem:$0xD800] =	vst v63  }
0x191: {  	_ =	swait.ge [sflag:s26], $0x2000  }
0x192: {  	[sflag:s26] =	ssyncset.done $0x0  }
0x193: {  	[sflag:s26] =	ssyncadd.s32 $0xFFFFE000  }
0x194: {  	_ =	sfence.sel $0x180000  }
0x195: {  	[bflag:$0x0] =	sbarrier.arrive $0xFFFF  }
0x196: {  	_ =	strace $0x90000047  }
0x197: {  	s0 =	stileid.u32;
	[bflag:$0x2] =	sbarrier.arrive $0xFFFF  }
0x198: {  	p0 =	sne.s32 s0, $0x0;
	s0 =	rddreg [dreg:$0x4]  }
0x199: {  	s0 =	sadd.s32 @!p0 $0x100000, s0  }
0x19a: {  	[sflag:s0] =	ssyncadd.tile.s32 @!p0 $0x1;
	_ =	shalt  }
.Lfunc_end2:
_tile_overlayer_lowered:
.L_overlay_start_2:
0x19b: {  	(tag) =	ssettag $0x2  }
0x19c: {  	s0 =	rddreg [dreg:$0x0];
	s2 =	stileid.u32  }
0x19d: {  	s1 =	rddreg [dreg:$0x1];
	p0 =	sne.s32 s2, $0x0  }
0x19e: {  	s3 =	rddreg [dreg:$0x2];
	[bflag:$0x3] =	sbarrier.arrive $0xFFFF;
	s2 =	simm.s32 @!p0 $0x1C05  }
0x19f: {  	[timem:s3], [sflag:s2] =	dma.local @!p0 [hbm:s0], s1  }
0x1a0: {  	s0 =	simm.s32 @!p0 $0x5  }
0x1a1: {  	_ =	swait.ge @!p0 [sflag:s0], s1  }
0x1a2: {  	s1 =	ssub.s32 @!p0 $0x0, s1;
	[sflag:s0] =	ssyncset.done @!p0 $0x0  }
0x1a3: {  	[sflag:s0] =	ssyncadd.s32 @!p0 s1  }
0x1a4: {  	[bflag:$0x3] =	sbarrier.arrive $0xFFFF  }
0x1a5: {  	_ =	shalt  }

</sc_bundles>
